<compile_context>
chip_gen: v7x
topology: tpu7x:2x2x1
jax: 0.10.2.dev20260603
libtpu: 0.0.44.dev20260713+nightly
codegen_flags: <defaults>
</compile_context>

<pallas_src>
import dataclasses

import jax
import jax.numpy as jnp
from jax import lax
from jax.experimental import pallas as pl
from jax.experimental.pallas import tpu as pltpu
from jax.experimental.pallas import tpu_sc as plsc

N_POINTS = 32768
N_PIX = 131072
M_MAP = 262144
N_ATOMIC = 65536
D = 64

NW = 32
PPW = N_POINTS // NW
PB = 256
C = 512
CSH = 9
AWS = 2064
VWS = PPW + 16

NEG = -3.0e38


def _body(x3d_hbm, modx_hbm, fmi_hbm, acsr_hbm, vcsr_hbm,
          out_hbm, seen_hbm,
          vcsr_v, acsr_v, tmp_v, idxa_v, idxb_v, rows_v,
          x3d_v, out_v, seen_v, sema, semb):
    cid = lax.axis_index("c")
    sid = lax.axis_index("s")
    wid = sid * 2 + cid
    base_p = wid * PPW

    pltpu.sync_copy(vcsr_hbm.at[pl.ds(base_p, VWS)], vcsr_v)

    a_first = vcsr_v[pl.ds(0, 16)][0]
    a_last = vcsr_v[pl.ds(PPW, 16)][0]
    aw0 = pl.multiple_of(a_first & -8, 8)
    pltpu.sync_copy(acsr_hbm.at[pl.ds(aw0, AWS)], acsr_v)
    m0 = acsr_v[pl.ds(a_first - aw0, 16)][0]
    t0 = pl.multiple_of(a_last & -8, 8)
    pltpu.sync_copy(acsr_hbm.at[pl.ds(t0, 32)], tmp_v)
    m1 = tmp_v[pl.ds(a_last - t0, 16)][0]

    w0 = pl.multiple_of(m0 & -8, 8)
    nwin = (m1 - w0 + C - 1) >> CSH

    @pl.when(m1 > m0)
    def _():
        pltpu.sync_copy(fmi_hbm.at[pl.ds(w0, C)], idxa_v)
        pltpu.async_copy(modx_hbm.at[idxa_v], rows_v.at[pl.ds(0, C)], sema)

    iota16 = lax.iota(jnp.int32, 16)
    zero = jnp.zeros((16,), jnp.float32)
    neg = jnp.full((16,), NEG, jnp.float32)

    def blk_body(blk, carry):
        aw_lo, w_lo, rbase, m_prev = carry
        pltpu.sync_copy(
            x3d_hbm.at[pl.ds((base_p + blk * PB) * D, PB * D)], x3d_v)

        def point_body(q, c2):
            aw_lo, w_lo, rbase, m_lo = c2
            p_rel = blk * PB + q
            vv = vcsr_v[pl.ds(p_rel, 16)]
            v_lo = vv[0]
            v_hi = vv[1]

            x0 = acsr_v[pl.ds(v_lo - aw_lo, 16)]
            x1 = acsr_v[pl.ds(v_lo - aw_lo + 1, 16)]
            emp = jnp.any((x0 == x1) & (iota16 < (v_hi - v_lo)))
            ngrp = (v_hi - v_lo + 15) >> 4

            def escan(k, st):
                aw_lo, emp = st
                base = v_lo + (k << 4)
                need_a = base - aw_lo > AWS - 32
                new_aw = jnp.where(need_a, base & -8, aw_lo)

                @pl.when(need_a)
                def _():
                    pltpu.sync_copy(acsr_hbm.at[pl.ds(pl.multiple_of(base & -8, 8), AWS)],
                                    acsr_v)

                y0 = acsr_v[pl.ds(base - new_aw, 16)]
                y1 = acsr_v[pl.ds(base - new_aw + 1, 16)]
                eqm = (y0 == y1) & (iota16 < (v_hi - base))
                return (new_aw, emp | jnp.any(eqm))

            aw_lo, emp = lax.fori_loop(1, ngrp, escan, (aw_lo, emp))

            need_b = v_hi - aw_lo > AWS - 32
            new_aw = jnp.where(need_b, v_hi & -8, aw_lo)

            @pl.when(need_b)
            def _():
                pltpu.sync_copy(acsr_hbm.at[pl.ds(pl.multiple_of(v_hi & -8, 8), AWS)], acsr_v)

            aw_lo = new_aw
            m_hi = acsr_v[pl.ds(v_hi - aw_lo, 16)][0]

            seen = v_hi > v_lo
            init = jnp.where(emp | jnp.logical_not(seen), zero, neg)

            def fast_walk():
                off = rbase - w_lo

                @plsc.parallel_loop(m_lo, m_hi,
                                    carry=(init, init, init, init),
                                    unroll=2)
                def rb(m, accs):
                    b0, b1, b2, b3 = accs
                    r = m + off
                    b0 = jnp.maximum(b0, rows_v[r, pl.ds(0, 16)])
                    b1 = jnp.maximum(b1, rows_v[r, pl.ds(16, 16)])
                    b2 = jnp.maximum(b2, rows_v[r, pl.ds(32, 16)])
                    b3 = jnp.maximum(b3, rows_v[r, pl.ds(48, 16)])
                    return (b0, b1, b2, b3)

                f0, f1, f2, f3 = rb
                return (w_lo, rbase, f0, f1, f2, f3)

            def slow_walk():
                cov = w_lo + C
                first_end = jnp.where(m_lo >= cov, cov + C, cov)
                trips = jnp.where(
                    m_hi <= first_end,
                    jnp.int32(1),
                    1 + ((m_hi - first_end + C - 1) >> CSH))
                trips = jnp.where(m_hi > m_lo, trips, jnp.int32(0))
                st = lax.fori_loop(
                    0, trips, wbody, (m_lo, w_lo, rbase,
                                      init, init, init, init))
                return st[1:]

            def wbody(_, st):
                m_cur, w_lo, rbase, a0, a1, a2, a3 = st
                need_w = m_cur >= w_lo + C
                k_new = (m_cur - w0) >> CSH
                new_w = jnp.where(need_w, w0 + (k_new << CSH), w_lo)
                new_rb = jnp.where(need_w, (k_new & 1) << CSH, rbase)

                @pl.when(need_w)
                def _():
                    b_is_a = (k_new & 1) == 0
                    nxt_off = pl.multiple_of(w0 + ((k_new + 1) << CSH), 8)
                    fire = nxt_off < m1

                    @pl.when(b_is_a)
                    def _():
                        pltpu.make_async_copy(
                            modx_hbm.at[idxa_v],
                            rows_v.at[pl.ds(0, C)], sema).wait()

                        @pl.when(fire)
                        def _():
                            pltpu.sync_copy(
                                fmi_hbm.at[pl.ds(nxt_off, C)], idxb_v)
                            pltpu.async_copy(
                                modx_hbm.at[idxb_v],
                                rows_v.at[pl.ds(C, C)], semb)

                    @pl.when(jnp.logical_not(b_is_a))
                    def _():
                        pltpu.make_async_copy(
                            modx_hbm.at[idxb_v],
                            rows_v.at[pl.ds(C, C)], semb).wait()

                        @pl.when(fire)
                        def _():
                            pltpu.sync_copy(
                                fmi_hbm.at[pl.ds(nxt_off, C)], idxa_v)
                            pltpu.async_copy(
                                modx_hbm.at[idxa_v],
                                rows_v.at[pl.ds(0, C)], sema)

                w_lo = new_w
                rbase = new_rb
                e = jnp.maximum(m_cur, jnp.minimum(m_hi, w_lo + C))
                off = rbase - w_lo

                @plsc.parallel_loop(m_cur, e, carry=(a0, a1, a2, a3),
                                    unroll=4)
                def rbody(m, accs):
                    b0, b1, b2, b3 = accs
                    r = m + off
                    b0 = jnp.maximum(b0, rows_v[r, pl.ds(0, 16)])
                    b1 = jnp.maximum(b1, rows_v[r, pl.ds(16, 16)])
                    b2 = jnp.maximum(b2, rows_v[r, pl.ds(32, 16)])
                    b3 = jnp.maximum(b3, rows_v[r, pl.ds(48, 16)])
                    return (b0, b1, b2, b3)

                a0, a1, a2, a3 = rbody
                return (e, w_lo, rbase, a0, a1, a2, a3)

            w_lo, rbase, s0, s1, s2, s3 = lax.cond(
                m_hi <= w_lo + C, fast_walk, slow_walk)

            qb = q * D
            out_v[pl.ds(qb, 16)] = x3d_v[pl.ds(qb, 16)] + s0
            out_v[pl.ds(qb + 16, 16)] = x3d_v[pl.ds(qb + 16, 16)] + s1
            out_v[pl.ds(qb + 32, 16)] = x3d_v[pl.ds(qb + 32, 16)] + s2
            out_v[pl.ds(qb + 48, 16)] = x3d_v[pl.ds(qb + 48, 16)] + s3
            return (aw_lo, w_lo, rbase, m_hi)

        aw_lo, w_lo, rbase, m_prev = lax.fori_loop(0, PB, point_body,
                                                   (aw_lo, w_lo, rbase,
                                                    m_prev))
        for g in range(PB // 16):
            lo16 = vcsr_v[pl.ds(blk * PB + g * 16, 16)]
            hi16 = vcsr_v[pl.ds(blk * PB + g * 16 + 1, 16)]
            seen_v[pl.ds(g * 16, 16)] = (hi16 > lo16).astype(jnp.int32)
        pltpu.sync_copy(
            out_v, out_hbm.at[pl.ds((base_p + blk * PB) * D, PB * D)])
        pltpu.sync_copy(seen_v, seen_hbm.at[pl.ds(base_p + blk * PB, PB)])
        return (aw_lo, w_lo, rbase, m_prev)

    init_c = (aw0, w0 - C, jnp.int32(C), m0)
    lax.fori_loop(0, PPW // PB, blk_body, init_c)


def kernel(x_3d, mod_x, feature_map_indexing, atomic_csr, view_csr):
    fmi = feature_map_indexing.astype(jnp.int32)
    acsr = atomic_csr.astype(jnp.int32)
    vcsr = view_csr.astype(jnp.int32)

    fmi_pad = jnp.concatenate(
        [fmi, jnp.zeros((C,), jnp.int32)])
    acsr_pad = jnp.concatenate(
        [acsr, jnp.full((AWS,), M_MAP, jnp.int32)])
    vcsr_pad = jnp.concatenate(
        [vcsr, jnp.full((VWS,), N_ATOMIC, jnp.int32)])

    mesh = plsc.VectorSubcoreMesh(core_axis_name="c", subcore_axis_name="s")
    cp = pltpu.CompilerParams()
    fields = pltpu.CompilerParams.__dataclass_fields__
    if "needs_layout_passes" in fields:
        cp = dataclasses.replace(cp, needs_layout_passes=False)
    if "use_tc_tiling_on_sc" in fields:
        cp = dataclasses.replace(cp, use_tc_tiling_on_sc=False)
    f = pl.kernel(
        _body,
        mesh=mesh,
        compiler_params=cp,
        out_type=[
            jax.ShapeDtypeStruct((N_POINTS * D,), jnp.float32),
            jax.ShapeDtypeStruct((N_POINTS,), jnp.int32),
        ],
        scratch_types=[
            pltpu.VMEM((VWS,), jnp.int32),
            pltpu.VMEM((AWS,), jnp.int32),
            pltpu.VMEM((32,), jnp.int32),
            pltpu.VMEM((C,), jnp.int32),
            pltpu.VMEM((C,), jnp.int32),
            pltpu.VMEM((2 * C, D), jnp.float32),
            pltpu.VMEM((PB * D,), jnp.float32),
            pltpu.VMEM((PB * D,), jnp.float32),
            pltpu.VMEM((PB,), jnp.int32),
            pltpu.SemaphoreType.DMA,
            pltpu.SemaphoreType.DMA,
        ],
    )
    out, seen = f(x_3d.reshape(-1), mod_x, fmi_pad, acsr_pad, vcsr_pad)
    return (out.reshape(N_POINTS, D), seen.astype(bool))

# --- scband reference (transcript-rebuilt; emitter-appended) ---
"""Pipeline reference for scband-unimodal-branch-50646254354831 (READ-ONLY COPY).

The authoritative reference and input builder live on the scoring server;
editing this copy changes nothing except your own understanding.
"""

import jax, jax.numpy as jnp
import numpy as np

N_POINTS = 32768
N_PIX = 131072
M_MAP = 262144
N_ATOMIC = 65536
D = 64


def _csr_to_segment_ids(csr, total):
    # element i belongs to segment j iff csr[j] <= i < csr[j+1]
    seg = jnp.searchsorted(csr, jnp.arange(total), side='right') - 1
    return jnp.clip(seg, 0, csr.shape[0] - 2)


def _csr_max_pool(x, csr, num_segments):
    total = x.shape[0]
    seg = _csr_to_segment_ids(csr, total)
    pooled = jax.ops.segment_max(x, seg, num_segments=num_segments)
    counts = jax.ops.segment_sum(jnp.ones((total,), x.dtype), seg, num_segments=num_segments)
    seen = counts > 0
    pooled = jnp.where(seen[:, None], pooled, 0.0)
    return pooled, seen


def setup_inputs(seed: int = 0) -> dict:
    key = jax.random.key(seed)
    k1, k2, k3, k4, k5 = jax.random.split(key, 5)
    x_3d = jax.random.normal(k1, (N_POINTS, D), dtype=jnp.float32)
    mod_x = jax.random.normal(k2, (N_PIX, D), dtype=jnp.float32)
    feature_map_indexing = jax.random.randint(k3, (M_MAP,), 0, N_PIX, dtype=jnp.int64) if jax.config.jax_enable_x64 else jax.random.randint(k3, (M_MAP,), 0, N_PIX, dtype=jnp.int32)
    atomic_csr = jnp.sort(jax.random.randint(k4, (N_ATOMIC + 1,), 0, M_MAP, dtype=jnp.int32))
    atomic_csr = atomic_csr.at[0].set(0).at[-1].set(M_MAP)
    view_csr = jnp.sort(jax.random.randint(k5, (N_POINTS + 1,), 0, N_ATOMIC, dtype=jnp.int32))
    view_csr = view_csr.at[0].set(0).at[-1].set(N_ATOMIC)
    return {
        'x_3d': x_3d,
        'mod_x': mod_x,
        'feature_map_indexing': feature_map_indexing,
        'atomic_csr': atomic_csr,
        'view_csr': view_csr,
    }


def reference(x_3d, mod_x, feature_map_indexing, atomic_csr, view_csr):
    # conv is None -> Identity on the modality feature map
    x = mod_x
    # feature_map_indexing: gather mapped pixel features for each point-pixel mapping
    x_mod = jnp.take(x, feature_map_indexing, axis=0)
    # atomic pool: CSR-grouped max over mappings -> atomic views
    x_atomic, _ = _csr_max_pool(x_mod, atomic_csr, N_ATOMIC)
    # view pool: CSR-grouped max over atomic views -> per-point features + seen mask
    x_view, x_seen = _csr_max_pool(x_atomic, view_csr, N_POINTS)
    # dropout with p=0 -> identity; fusion: residual add (unseen points get 0)
    x_out = x_3d + x_view
    return (x_out, x_seen)

if __name__ == "__main__":
    import jax
    _d = setup_inputs()
    print(jax.jit(kernel)(*tuple(_d.values())))

</pallas_src>

<mosaic_0001>
#map = affine_map<(d0, d1) -> (0)>
#map1 = affine_map<(d0, d1) -> (0, 0)>
module attributes {stable_mosaic.version = 14 : i64} {
  func.func @_body(%arg0: i32, %arg1: i32, %arg2: memref<2097152xf32, #tpu.memory_space<hbm>>, %arg3: memref<131072x64xf32, #tpu.memory_space<hbm>>, %arg4: memref<262656xi32, #tpu.memory_space<hbm>>, %arg5: memref<67601xi32, #tpu.memory_space<hbm>>, %arg6: memref<33809xi32, #tpu.memory_space<hbm>>, %arg7: memref<2097152xf32, #tpu.memory_space<hbm>>, %arg8: memref<32768xi32, #tpu.memory_space<hbm>>, %arg9: memref<1040xi32, #tpu.memory_space<vmem>>, %arg10: memref<2064xi32, #tpu.memory_space<vmem>>, %arg11: memref<32xi32, #tpu.memory_space<vmem>>, %arg12: memref<512xi32, #tpu.memory_space<vmem>>, %arg13: memref<512xi32, #tpu.memory_space<vmem>>, %arg14: memref<1024x64xf32, #tpu.memory_space<vmem>>, %arg15: memref<16384xf32, #tpu.memory_space<vmem>>, %arg16: memref<16384xf32, #tpu.memory_space<vmem>>, %arg17: memref<256xi32, #tpu.memory_space<vmem>>, %arg18: memref<!tpu.dma_semaphore, #tpu.memory_space<semaphore_mem>>, %arg19: memref<!tpu.dma_semaphore, #tpu.memory_space<semaphore_mem>>) attributes {dimension_semantics = [#tpu.dimension_semantics<core_parallel>, #tpu.dimension_semantics<subcore_parallel>], iteration_bounds = array<i64: 2, 16>, scalar_prefetch = 0 : i64, scratch_operands = 11 : i64, tpu.core_type = #tpu.core_type<sc_vector_subcore>, window_params = [{transform_indices = #map}, {transform_indices = #map1}, {transform_indices = #map}, {transform_indices = #map}, {transform_indices = #map}, {transform_indices = #map}, {transform_indices = #map}]} {
    %mul3A = arith.constant 2 : i32
    %mul3A_0 = arith.muli %arg1, %mul3A : i32
    %add3A = arith.addi %mul3A_0, %arg0 : i32
    %mul3A_1 = arith.constant 1024 : i32
    %mul3A_2 = arith.muli %add3A, %mul3A_1 : i32
    "tpu.region"() ({
      %run_scoped3A = tpu.sem_alloc : memref<!tpu.dma_semaphore, #tpu.memory_space<semaphore_mem>>
      %dma_start3A = tpu.memref_slice %arg6[%mul3A_2] : memref<33809xi32, #tpu.memory_space<hbm>> -> memref<1040xi32, #tpu.memory_space<hbm>>
      %dma_start3A_42 = tpu.memref_slice %arg6[%mul3A_2] : memref<33809xi32, #tpu.memory_space<hbm>> -> memref<1040xi32, #tpu.memory_space<hbm>>
      tpu.enqueue_dma source(%dma_start3A_42 : memref<1040xi32, #tpu.memory_space<hbm>>) target(%arg9 : memref<1040xi32, #tpu.memory_space<vmem>>) target_semaphore(%run_scoped3A : memref<!tpu.dma_semaphore, #tpu.memory_space<semaphore_mem>>)
      %dma_wait3A = tpu.memref_slice %arg6[%mul3A_2] : memref<33809xi32, #tpu.memory_space<hbm>> -> memref<1040xi32, #tpu.memory_space<hbm>>
      %dma_wait3A_43 = tpu.memref_slice %arg6[%mul3A_2] : memref<33809xi32, #tpu.memory_space<hbm>> -> memref<1040xi32, #tpu.memory_space<hbm>>
      tpu.wait_dma2 semaphore(%run_scoped3A : memref<!tpu.dma_semaphore, #tpu.memory_space<semaphore_mem>>) src(%dma_wait3A_43 : memref<1040xi32, #tpu.memory_space<hbm>>) dst(%arg9 : memref<1040xi32, #tpu.memory_space<vmem>>)
      tpu.yield
    }) : () -> ()
    %get3A = arith.constant 0 : index
    %get3A_3 = tpu.vector_load %arg9[%get3A] {strides = array<i32>} : memref<1040xi32, #tpu.memory_space<vmem>>, vector<16xi32>,
    %slice3A = vector.extract_strided_slice %get3A_3 {offsets = [0], sizes = [1], strides = [1]} : vector<16xi32> to vector<1xi32>
    %squeeze3A = vector.extract %slice3A[0] : i32 from vector<1xi32>
    %get3A_4 = arith.constant 1024 : index
    %get3A_5 = tpu.vector_load %arg9[%get3A_4] {strides = array<i32>} : memref<1040xi32, #tpu.memory_space<vmem>>, vector<16xi32>,
    %slice3A_6 = vector.extract_strided_slice %get3A_5 {offsets = [0], sizes = [1], strides = [1]} : vector<16xi32> to vector<1xi32>
    %squeeze3A_7 = vector.extract %slice3A_6[0] : i32 from vector<1xi32>
    %and3A = arith.constant -8 : i32
    %and3A_8 = arith.andi %squeeze3A, %and3A : i32
    %multiple_of3A = tpu.assume_multiple %and3A_8, 8 : i32
    "tpu.region"() ({
      %run_scoped3A = tpu.sem_alloc : memref<!tpu.dma_semaphore, #tpu.memory_space<semaphore_mem>>
      %dma_start3A = tpu.memref_slice %arg5[%multiple_of3A] : memref<67601xi32, #tpu.memory_space<hbm>> -> memref<2064xi32, #tpu.memory_space<hbm>>
      %dma_start3A_42 = tpu.memref_slice %arg5[%multiple_of3A] : memref<67601xi32, #tpu.memory_space<hbm>> -> memref<2064xi32, #tpu.memory_space<hbm>>
      tpu.enqueue_dma source(%dma_start3A_42 : memref<2064xi32, #tpu.memory_space<hbm>>) target(%arg10 : memref<2064xi32, #tpu.memory_space<vmem>>) target_semaphore(%run_scoped3A : memref<!tpu.dma_semaphore, #tpu.memory_space<semaphore_mem>>)
      %dma_wait3A = tpu.memref_slice %arg5[%multiple_of3A] : memref<67601xi32, #tpu.memory_space<hbm>> -> memref<2064xi32, #tpu.memory_space<hbm>>
      %dma_wait3A_43 = tpu.memref_slice %arg5[%multiple_of3A] : memref<67601xi32, #tpu.memory_space<hbm>> -> memref<2064xi32, #tpu.memory_space<hbm>>
      tpu.wait_dma2 semaphore(%run_scoped3A : memref<!tpu.dma_semaphore, #tpu.memory_space<semaphore_mem>>) src(%dma_wait3A_43 : memref<2064xi32, #tpu.memory_space<hbm>>) dst(%arg10 : memref<2064xi32, #tpu.memory_space<vmem>>)
      tpu.yield
    }) : () -> ()
    %sub3A = arith.subi %squeeze3A, %multiple_of3A : i32
    %get3A_9 = arith.index_cast %sub3A : i32 to index
    %get3A_10 = tpu.vector_load %arg10[%get3A_9] {strides = array<i32>} : memref<2064xi32, #tpu.memory_space<vmem>>, vector<16xi32>,
    %slice3A_11 = vector.extract_strided_slice %get3A_10 {offsets = [0], sizes = [1], strides = [1]} : vector<16xi32> to vector<1xi32>
    %squeeze3A_12 = vector.extract %slice3A_11[0] : i32 from vector<1xi32>
    %and3A_13 = arith.constant -8 : i32
    %and3A_14 = arith.andi %squeeze3A_7, %and3A_13 : i32
    %multiple_of3A_15 = tpu.assume_multiple %and3A_14, 8 : i32
    "tpu.region"() ({
      %run_scoped3A = tpu.sem_alloc : memref<!tpu.dma_semaphore, #tpu.memory_space<semaphore_mem>>
      %dma_start3A = tpu.memref_slice %arg5[%multiple_of3A_15] : memref<67601xi32, #tpu.memory_space<hbm>> -> memref<32xi32, #tpu.memory_space<hbm>>
      %dma_start3A_42 = tpu.memref_slice %arg5[%multiple_of3A_15] : memref<67601xi32, #tpu.memory_space<hbm>> -> memref<32xi32, #tpu.memory_space<hbm>>
      tpu.enqueue_dma source(%dma_start3A_42 : memref<32xi32, #tpu.memory_space<hbm>>) target(%arg11 : memref<32xi32, #tpu.memory_space<vmem>>) target_semaphore(%run_scoped3A : memref<!tpu.dma_semaphore, #tpu.memory_space<semaphore_mem>>)
      %dma_wait3A = tpu.memref_slice %arg5[%multiple_of3A_15] : memref<67601xi32, #tpu.memory_space<hbm>> -> memref<32xi32, #tpu.memory_space<hbm>>
      %dma_wait3A_43 = tpu.memref_slice %arg5[%multiple_of3A_15] : memref<67601xi32, #tpu.memory_space<hbm>> -> memref<32xi32, #tpu.memory_space<hbm>>
      tpu.wait_dma2 semaphore(%run_scoped3A : memref<!tpu.dma_semaphore, #tpu.memory_space<semaphore_mem>>) src(%dma_wait3A_43 : memref<32xi32, #tpu.memory_space<hbm>>) dst(%arg11 : memref<32xi32, #tpu.memory_space<vmem>>)
      tpu.yield
    }) : () -> ()
    %sub3A_16 = arith.subi %squeeze3A_7, %multiple_of3A_15 : i32
    %get3A_17 = arith.index_cast %sub3A_16 : i32 to index
    %get3A_18 = tpu.vector_load %arg11[%get3A_17] {strides = array<i32>} : memref<32xi32, #tpu.memory_space<vmem>>, vector<16xi32>,
    %slice3A_19 = vector.extract_strided_slice %get3A_18 {offsets = [0], sizes = [1], strides = [1]} : vector<16xi32> to vector<1xi32>
    %squeeze3A_20 = vector.extract %slice3A_19[0] : i32 from vector<1xi32>
    %and3A_21 = arith.constant -8 : i32
    %and3A_22 = arith.andi %squeeze3A_12, %and3A_21 : i32
    %multiple_of3A_23 = tpu.assume_multiple %and3A_22, 8 : i32
    %sub3A_24 = arith.subi %squeeze3A_20, %multiple_of3A_23 : i32
    %add3A_25 = arith.constant 512 : i32
    %add3A_26 = arith.addi %sub3A_24, %add3A_25 : i32
    %sub3A_27 = arith.constant 1 : i32
    %sub3A_28 = arith.subi %add3A_26, %sub3A_27 : i32
    %shift_right_arithmetic3A = arith.constant 9 : i32
    %shift_right_arithmetic3A_29 = arith.shrsi %sub3A_28, %shift_right_arithmetic3A : i32
    %gt3A = arith.cmpi sgt, %squeeze3A_20, %squeeze3A_12 : i32
    %convert_element_type3A = arith.extui %gt3A : i1 to i32
    %cond3A = arith.constant 0 : i32
    %cond3A_30 = arith.cmpi ne, %convert_element_type3A, %cond3A : i32
    scf.if %cond3A_30 {
      "tpu.region"() ({
        %run_scoped3A = tpu.sem_alloc : memref<!tpu.dma_semaphore, #tpu.memory_space<semaphore_mem>>
        %dma_start3A_47 = tpu.memref_slice %arg4[%multiple_of3A_23] : memref<262656xi32, #tpu.memory_space<hbm>> -> memref<512xi32, #tpu.memory_space<hbm>>
        %dma_start3A_48 = tpu.memref_slice %arg4[%multiple_of3A_23] : memref<262656xi32, #tpu.memory_space<hbm>> -> memref<512xi32, #tpu.memory_space<hbm>>
        tpu.enqueue_dma source(%dma_start3A_48 : memref<512xi32, #tpu.memory_space<hbm>>) target(%arg12 : memref<512xi32, #tpu.memory_space<vmem>>) target_semaphore(%run_scoped3A : memref<!tpu.dma_semaphore, #tpu.memory_space<semaphore_mem>>)
        %dma_wait3A = tpu.memref_slice %arg4[%multiple_of3A_23] : memref<262656xi32, #tpu.memory_space<hbm>> -> memref<512xi32, #tpu.memory_space<hbm>>
        %dma_wait3A_49 = tpu.memref_slice %arg4[%multiple_of3A_23] : memref<262656xi32, #tpu.memory_space<hbm>> -> memref<512xi32, #tpu.memory_space<hbm>>
        tpu.wait_dma2 semaphore(%run_scoped3A : memref<!tpu.dma_semaphore, #tpu.memory_space<semaphore_mem>>) src(%dma_wait3A_49 : memref<512xi32, #tpu.memory_space<hbm>>) dst(%arg12 : memref<512xi32, #tpu.memory_space<vmem>>)
        tpu.yield
      }) : () -> ()
      %dma_start3A = arith.constant 0 : i32
      %dma_start3A_42 = arith.constant 0 : i32
      %dma_start3A_43 = tpu.memref_slice %arg14[%dma_start3A, %dma_start3A_42] : memref<1024x64xf32, #tpu.memory_space<vmem>> -> memref<512x64xf32, #tpu.memory_space<vmem>>
      %dma_start3A_44 = arith.constant 0 : i32
      %dma_start3A_45 = arith.constant 0 : i32
      %dma_start3A_46 = tpu.memref_slice %arg3[%dma_start3A_44, %dma_start3A_45] : memref<131072x64xf32, #tpu.memory_space<hbm>> -> memref<131072x64xf32, #tpu.memory_space<hbm>>
      tpu.enqueue_indirect_dma source(%dma_start3A_46 : memref<131072x64xf32, #tpu.memory_space<hbm>>) target(%dma_start3A_43 : memref<512x64xf32, #tpu.memory_space<vmem>>) offsets(%arg12 : memref<512xi32, #tpu.memory_space<vmem>>) semaphore(%arg18 : memref<!tpu.dma_semaphore, #tpu.memory_space<semaphore_mem>>)
    } else {
    }
    %iota3A = tpu.iota {dimensions = array<i32: 0>} : vector<16xi32>
    %broadcast_in_dim3A = arith.constant 0.000000e+00 : f32
    %broadcast_in_dim3A_31 = vector.broadcast %broadcast_in_dim3A : f32 to vector<16xf32>
    %broadcast_in_dim3A_32 = arith.constant -3.000000e+38 : f32
    %broadcast_in_dim3A_33 = vector.broadcast %broadcast_in_dim3A_32 : f32 to vector<16xf32>
    %sub3A_34 = arith.constant 512 : i32
    %sub3A_35 = arith.subi %multiple_of3A_23, %sub3A_34 : i32
    %scan3A = arith.constant 512 : i32
    %scan3A_36 = arith.constant 0 : i32
    %scan3A_37 = arith.constant 4 : i32
    %scan3A_38 = arith.addi %scan3A_36, %scan3A_37 : i32
    %scan3A_39 = arith.constant 1 : i32
    %scan3A_40:4 = scf.for %scan3A_42 = %scan3A_36 to %scan3A_38 step %scan3A_39 iter_args(%scan3A_43 = %multiple_of3A, %scan3A_44 = %sub3A_35, %scan3A_45 = %scan3A, %scan3A_46 = %squeeze3A_12) -> (i32, i32, i32, i32)  : i32 {
      %mul3A_47 = arith.constant 256 : i32
      %mul3A_48 = arith.muli %scan3A_42, %mul3A_47 : i32
      %add3A_49 = arith.addi %mul3A_2, %mul3A_48 : i32
      %mul3A_50 = arith.constant 64 : i32
      %mul3A_51 = arith.muli %add3A_49, %mul3A_50 : i32
      "tpu.region"() ({
        %run_scoped3A = tpu.sem_alloc : memref<!tpu.dma_semaphore, #tpu.memory_space<semaphore_mem>>
        %dma_start3A = tpu.memref_slice %arg2[%mul3A_51] : memref<2097152xf32, #tpu.memory_space<hbm>> -> memref<16384xf32, #tpu.memory_space<hbm>>
        %dma_start3A_353 = tpu.memref_slice %arg2[%mul3A_51] : memref<2097152xf32, #tpu.memory_space<hbm>> -> memref<16384xf32, #tpu.memory_space<hbm>>
        tpu.enqueue_dma source(%dma_start3A_353 : memref<16384xf32, #tpu.memory_space<hbm>>) target(%arg15 : memref<16384xf32, #tpu.memory_space<vmem>>) target_semaphore(%run_scoped3A : memref<!tpu.dma_semaphore, #tpu.memory_space<semaphore_mem>>)
        %dma_wait3A = tpu.memref_slice %arg2[%mul3A_51] : memref<2097152xf32, #tpu.memory_space<hbm>> -> memref<16384xf32, #tpu.memory_space<hbm>>
        %dma_wait3A_354 = tpu.memref_slice %arg2[%mul3A_51] : memref<2097152xf32, #tpu.memory_space<hbm>> -> memref<16384xf32, #tpu.memory_space<hbm>>
        tpu.wait_dma2 semaphore(%run_scoped3A : memref<!tpu.dma_semaphore, #tpu.memory_space<semaphore_mem>>) src(%dma_wait3A_354 : memref<16384xf32, #tpu.memory_space<hbm>>) dst(%arg15 : memref<16384xf32, #tpu.memory_space<vmem>>)
        tpu.yield
      }) : () -> ()
      %scan3A_52 = arith.constant 0 : i32
      %scan3A_53 = arith.constant 256 : i32
      %scan3A_54 = arith.addi %scan3A_52, %scan3A_53 : i32
      %scan3A_55 = arith.constant 1 : i32
      %scan3A_56:4 = scf.for %scan3A_353 = %scan3A_52 to %scan3A_54 step %scan3A_55 iter_args(%scan3A_354 = %scan3A_43, %scan3A_355 = %scan3A_44, %scan3A_356 = %scan3A_45, %scan3A_357 = %scan3A_46) -> (i32, i32, i32, i32)  : i32 {
        %mul3A_358 = arith.constant 256 : i32
        %mul3A_359 = arith.muli %scan3A_42, %mul3A_358 : i32
        %add3A_360 = arith.addi %mul3A_359, %scan3A_353 : i32
        %get3A_361 = arith.index_cast %add3A_360 : i32 to index
        %get3A_362 = tpu.vector_load %arg9[%get3A_361] {strides = array<i32>} : memref<1040xi32, #tpu.memory_space<vmem>>, vector<16xi32>,
        %slice3A_363 = vector.extract_strided_slice %get3A_362 {offsets = [0], sizes = [1], strides = [1]} : vector<16xi32> to vector<1xi32>
        %squeeze3A_364 = vector.extract %slice3A_363[0] : i32 from vector<1xi32>
        %slice3A_365 = vector.extract_strided_slice %get3A_362 {offsets = [1], sizes = [1], strides = [1]} : vector<16xi32> to vector<1xi32>
        %squeeze3A_366 = vector.extract %slice3A_365[0] : i32 from vector<1xi32>
        %sub3A_367 = arith.subi %squeeze3A_364, %scan3A_354 : i32
        %get3A_368 = arith.index_cast %sub3A_367 : i32 to index
        %get3A_369 = tpu.vector_load %arg10[%get3A_368] {strides = array<i32>} : memref<2064xi32, #tpu.memory_space<vmem>>, vector<16xi32>,
        %sub3A_370 = arith.subi %squeeze3A_364, %scan3A_354 : i32
        %add3A_371 = arith.constant 1 : i32
        %add3A_372 = arith.addi %sub3A_370, %add3A_371 : i32
        %get3A_373 = arith.index_cast %add3A_372 : i32 to index
        %get3A_374 = tpu.vector_load %arg10[%get3A_373] {strides = array<i32>} : memref<2064xi32, #tpu.memory_space<vmem>>, vector<16xi32>,
        %eq3A = arith.cmpi eq, %get3A_369, %get3A_374 : vector<16xi32>
        %sub3A_375 = arith.subi %squeeze3A_366, %squeeze3A_364 : i32
        %lt3A = vector.broadcast %sub3A_375 : i32 to vector<16xi32>
        %lt3A_376 = arith.cmpi slt, %iota3A, %lt3A : vector<16xi32>
        %and3A_377 = arith.andi %eq3A, %lt3A_376 : vector<16xi1>
        %reduce_or3A = arith.constant 1.000000e+00 : f32
        %reduce_or3A_378 = arith.constant 0.000000e+00 : f32
        %reduce_or3A_379 = vector.broadcast %reduce_or3A : f32 to vector<16xf32>
        %reduce_or3A_380 = vector.broadcast %reduce_or3A_378 : f32 to vector<16xf32>
        %reduce_or3A_381 = arith.select %and3A_377, %reduce_or3A_379, %reduce_or3A_380 : vector<16xi1>, vector<16xf32>
        %reduce_or3A_382 = arith.constant true
        %reduce_or3A_383 = vector.broadcast %reduce_or3A_382 : i1 to vector<16xi1>
        %reduce_or3A_384 = tpu.scan <max>, %reduce_or3A_381 masked %reduce_or3A_383 : vector<16xf32>, vector<16xi1> -> vector<16xf32>
        %reduce_or3A_385 = vector.extract %reduce_or3A_384[15] : f32 from vector<16xf32>
        %reduce_or3A_386 = arith.constant 0.000000e+00 : f32
        %reduce_or3A_387 = arith.cmpf ogt, %reduce_or3A_385, %reduce_or3A_386 : f32
        %sub3A_388 = arith.subi %squeeze3A_366, %squeeze3A_364 : i32
        %add3A_389 = arith.constant 15 : i32
        %add3A_390 = arith.addi %sub3A_388, %add3A_389 : i32
        %shift_right_arithmetic3A_391 = arith.constant 4 : i32
        %shift_right_arithmetic3A_392 = arith.shrsi %add3A_390, %shift_right_arithmetic3A_391 : i32
        %while3A = arith.constant 1 : i32
        %while3A_393 = arith.subi %shift_right_arithmetic3A_392, %while3A : i32
        %while3A_394 = arith.addi %while3A, %while3A_393 : i32
        %while3A_395 = arith.constant 1 : i32
        %while3A_396 = arith.divsi %while3A_393, %while3A_395 : i32
        %while3A_397 = arith.muli %while3A_396, %while3A_395 : i32
        %while3A_398 = arith.addi %while3A, %while3A_397 : i32
        %while3A_399 = arith.constant 1 : i32
        %while3A_400:2 = scf.for %while3A_459 = %while3A to %while3A_398 step %while3A_399 iter_args(%while3A_460 = %scan3A_354, %while3A_461 = %reduce_or3A_387) -> (i32, i1)  : i32 {
          %shift_left3A = arith.constant 4 : i32
          %shift_left3A_462 = arith.shli %while3A_459, %shift_left3A : i32
          %add3A_463 = arith.addi %squeeze3A_364, %shift_left3A_462 : i32
          %sub3A_464 = arith.subi %add3A_463, %while3A_460 : i32
          %gt3A_465 = arith.constant 2032 : i32
          %gt3A_466 = arith.cmpi sgt, %sub3A_464, %gt3A_465 : i32
          %and3A_467 = arith.constant -8 : i32
          %and3A_468 = arith.andi %add3A_463, %and3A_467 : i32
          %select_n3A_469 = arith.select %gt3A_466, %and3A_468, %while3A_460 : i32
          %convert_element_type3A_470 = arith.extui %gt3A_466 : i1 to i32
          %cond3A_471 = arith.constant 0 : i32
          %cond3A_472 = arith.cmpi ne, %convert_element_type3A_470, %cond3A_471 : i32
          scf.if %cond3A_472 {
            %and3A_498 = arith.constant -8 : i32
            %and3A_499 = arith.andi %add3A_463, %and3A_498 : i32
            %multiple_of3A_500 = tpu.assume_multiple %and3A_499, 8 : i32
            "tpu.region"() ({
              %run_scoped3A = tpu.sem_alloc : memref<!tpu.dma_semaphore, #tpu.memory_space<semaphore_mem>>
              %dma_start3A = tpu.memref_slice %arg5[%multiple_of3A_500] : memref<67601xi32, #tpu.memory_space<hbm>> -> memref<2064xi32, #tpu.memory_space<hbm>>
              %dma_start3A_501 = tpu.memref_slice %arg5[%multiple_of3A_500] : memref<67601xi32, #tpu.memory_space<hbm>> -> memref<2064xi32, #tpu.memory_space<hbm>>
              tpu.enqueue_dma source(%dma_start3A_501 : memref<2064xi32, #tpu.memory_space<hbm>>) target(%arg10 : memref<2064xi32, #tpu.memory_space<vmem>>) target_semaphore(%run_scoped3A : memref<!tpu.dma_semaphore, #tpu.memory_space<semaphore_mem>>)
              %dma_wait3A = tpu.memref_slice %arg5[%multiple_of3A_500] : memref<67601xi32, #tpu.memory_space<hbm>> -> memref<2064xi32, #tpu.memory_space<hbm>>
              %dma_wait3A_502 = tpu.memref_slice %arg5[%multiple_of3A_500] : memref<67601xi32, #tpu.memory_space<hbm>> -> memref<2064xi32, #tpu.memory_space<hbm>>
              tpu.wait_dma2 semaphore(%run_scoped3A : memref<!tpu.dma_semaphore, #tpu.memory_space<semaphore_mem>>) src(%dma_wait3A_502 : memref<2064xi32, #tpu.memory_space<hbm>>) dst(%arg10 : memref<2064xi32, #tpu.memory_space<vmem>>)
              tpu.yield
            }) : () -> ()
          } else {
          }
          %sub3A_473 = arith.subi %add3A_463, %select_n3A_469 : i32
          %get3A_474 = arith.index_cast %sub3A_473 : i32 to index
          %get3A_475 = tpu.vector_load %arg10[%get3A_474] {strides = array<i32>} : memref<2064xi32, #tpu.memory_space<vmem>>, vector<16xi32>,
          %sub3A_476 = arith.subi %add3A_463, %select_n3A_469 : i32
          %add3A_477 = arith.constant 1 : i32
          %add3A_478 = arith.addi %sub3A_476, %add3A_477 : i32
          %get3A_479 = arith.index_cast %add3A_478 : i32 to index
          %get3A_480 = tpu.vector_load %arg10[%get3A_479] {strides = array<i32>} : memref<2064xi32, #tpu.memory_space<vmem>>, vector<16xi32>,
          %eq3A_481 = arith.cmpi eq, %get3A_475, %get3A_480 : vector<16xi32>
          %sub3A_482 = arith.subi %squeeze3A_366, %add3A_463 : i32
          %lt3A_483 = vector.broadcast %sub3A_482 : i32 to vector<16xi32>
          %lt3A_484 = arith.cmpi slt, %iota3A, %lt3A_483 : vector<16xi32>
          %and3A_485 = arith.andi %eq3A_481, %lt3A_484 : vector<16xi1>
          %reduce_or3A_486 = arith.constant 1.000000e+00 : f32
          %reduce_or3A_487 = arith.constant 0.000000e+00 : f32
          %reduce_or3A_488 = vector.broadcast %reduce_or3A_486 : f32 to vector<16xf32>
          %reduce_or3A_489 = vector.broadcast %reduce_or3A_487 : f32 to vector<16xf32>
          %reduce_or3A_490 = arith.select %and3A_485, %reduce_or3A_488, %reduce_or3A_489 : vector<16xi1>, vector<16xf32>
          %reduce_or3A_491 = arith.constant true
          %reduce_or3A_492 = vector.broadcast %reduce_or3A_491 : i1 to vector<16xi1>
          %reduce_or3A_493 = tpu.scan <max>, %reduce_or3A_490 masked %reduce_or3A_492 : vector<16xf32>, vector<16xi1> -> vector<16xf32>
          %reduce_or3A_494 = vector.extract %reduce_or3A_493[15] : f32 from vector<16xf32>
          %reduce_or3A_495 = arith.constant 0.000000e+00 : f32
          %reduce_or3A_496 = arith.cmpf ogt, %reduce_or3A_494, %reduce_or3A_495 : f32
          %or3A_497 = arith.ori %while3A_461, %reduce_or3A_496 : i1
          scf.yield %select_n3A_469, %or3A_497 : i32, i1
        }
        %while3A_401 = arith.constant 1 : i32
        %while3A_402:2 = scf.for %while3A_459 = %while3A_398 to %while3A_394 step %while3A_401 iter_args(%while3A_460 = %while3A_400#0, %while3A_461 = %while3A_400#1) -> (i32, i1)  : i32 {
          %shift_left3A = arith.constant 4 : i32
          %shift_left3A_462 = arith.shli %while3A_459, %shift_left3A : i32
          %add3A_463 = arith.addi %squeeze3A_364, %shift_left3A_462 : i32
          %sub3A_464 = arith.subi %add3A_463, %while3A_460 : i32
          %gt3A_465 = arith.constant 2032 : i32
          %gt3A_466 = arith.cmpi sgt, %sub3A_464, %gt3A_465 : i32
          %and3A_467 = arith.constant -8 : i32
          %and3A_468 = arith.andi %add3A_463, %and3A_467 : i32
          %select_n3A_469 = arith.select %gt3A_466, %and3A_468, %while3A_460 : i32
          %convert_element_type3A_470 = arith.extui %gt3A_466 : i1 to i32
          %cond3A_471 = arith.constant 0 : i32
          %cond3A_472 = arith.cmpi ne, %convert_element_type3A_470, %cond3A_471 : i32
          scf.if %cond3A_472 {
            %and3A_498 = arith.constant -8 : i32
            %and3A_499 = arith.andi %add3A_463, %and3A_498 : i32
            %multiple_of3A_500 = tpu.assume_multiple %and3A_499, 8 : i32
            "tpu.region"() ({
              %run_scoped3A = tpu.sem_alloc : memref<!tpu.dma_semaphore, #tpu.memory_space<semaphore_mem>>
              %dma_start3A = tpu.memref_slice %arg5[%multiple_of3A_500] : memref<67601xi32, #tpu.memory_space<hbm>> -> memref<2064xi32, #tpu.memory_space<hbm>>
              %dma_start3A_501 = tpu.memref_slice %arg5[%multiple_of3A_500] : memref<67601xi32, #tpu.memory_space<hbm>> -> memref<2064xi32, #tpu.memory_space<hbm>>
              tpu.enqueue_dma source(%dma_start3A_501 : memref<2064xi32, #tpu.memory_space<hbm>>) target(%arg10 : memref<2064xi32, #tpu.memory_space<vmem>>) target_semaphore(%run_scoped3A : memref<!tpu.dma_semaphore, #tpu.memory_space<semaphore_mem>>)
              %dma_wait3A = tpu.memref_slice %arg5[%multiple_of3A_500] : memref<67601xi32, #tpu.memory_space<hbm>> -> memref<2064xi32, #tpu.memory_space<hbm>>
              %dma_wait3A_502 = tpu.memref_slice %arg5[%multiple_of3A_500] : memref<67601xi32, #tpu.memory_space<hbm>> -> memref<2064xi32, #tpu.memory_space<hbm>>
              tpu.wait_dma2 semaphore(%run_scoped3A : memref<!tpu.dma_semaphore, #tpu.memory_space<semaphore_mem>>) src(%dma_wait3A_502 : memref<2064xi32, #tpu.memory_space<hbm>>) dst(%arg10 : memref<2064xi32, #tpu.memory_space<vmem>>)
              tpu.yield
            }) : () -> ()
          } else {
          }
          %sub3A_473 = arith.subi %add3A_463, %select_n3A_469 : i32
          %get3A_474 = arith.index_cast %sub3A_473 : i32 to index
          %get3A_475 = tpu.vector_load %arg10[%get3A_474] {strides = array<i32>} : memref<2064xi32, #tpu.memory_space<vmem>>, vector<16xi32>,
          %sub3A_476 = arith.subi %add3A_463, %select_n3A_469 : i32
          %add3A_477 = arith.constant 1 : i32
          %add3A_478 = arith.addi %sub3A_476, %add3A_477 : i32
          %get3A_479 = arith.index_cast %add3A_478 : i32 to index
          %get3A_480 = tpu.vector_load %arg10[%get3A_479] {strides = array<i32>} : memref<2064xi32, #tpu.memory_space<vmem>>, vector<16xi32>,
          %eq3A_481 = arith.cmpi eq, %get3A_475, %get3A_480 : vector<16xi32>
          %sub3A_482 = arith.subi %squeeze3A_366, %add3A_463 : i32
          %lt3A_483 = vector.broadcast %sub3A_482 : i32 to vector<16xi32>
          %lt3A_484 = arith.cmpi slt, %iota3A, %lt3A_483 : vector<16xi32>
          %and3A_485 = arith.andi %eq3A_481, %lt3A_484 : vector<16xi1>
          %reduce_or3A_486 = arith.constant 1.000000e+00 : f32
          %reduce_or3A_487 = arith.constant 0.000000e+00 : f32
          %reduce_or3A_488 = vector.broadcast %reduce_or3A_486 : f32 to vector<16xf32>
          %reduce_or3A_489 = vector.broadcast %reduce_or3A_487 : f32 to vector<16xf32>
          %reduce_or3A_490 = arith.select %and3A_485, %reduce_or3A_488, %reduce_or3A_489 : vector<16xi1>, vector<16xf32>
          %reduce_or3A_491 = arith.constant true
          %reduce_or3A_492 = vector.broadcast %reduce_or3A_491 : i1 to vector<16xi1>
          %reduce_or3A_493 = tpu.scan <max>, %reduce_or3A_490 masked %reduce_or3A_492 : vector<16xf32>, vector<16xi1> -> vector<16xf32>
          %reduce_or3A_494 = vector.extract %reduce_or3A_493[15] : f32 from vector<16xf32>
          %reduce_or3A_495 = arith.constant 0.000000e+00 : f32
          %reduce_or3A_496 = arith.cmpf ogt, %reduce_or3A_494, %reduce_or3A_495 : f32
          %or3A_497 = arith.ori %while3A_461, %reduce_or3A_496 : i1
          scf.yield %select_n3A_469, %or3A_497 : i32, i1
        }
        %sub3A_403 = arith.subi %squeeze3A_366, %while3A_402#0 : i32
        %gt3A_404 = arith.constant 2032 : i32
        %gt3A_405 = arith.cmpi sgt, %sub3A_403, %gt3A_404 : i32
        %and3A_406 = arith.constant -8 : i32
        %and3A_407 = arith.andi %squeeze3A_366, %and3A_406 : i32
        %select_n3A = arith.select %gt3A_405, %and3A_407, %while3A_402#0 : i32
        %convert_element_type3A_408 = arith.extui %gt3A_405 : i1 to i32
        %cond3A_409 = arith.constant 0 : i32
        %cond3A_410 = arith.cmpi ne, %convert_element_type3A_408, %cond3A_409 : i32
        scf.if %cond3A_410 {
          %and3A_459 = arith.constant -8 : i32
          %and3A_460 = arith.andi %squeeze3A_366, %and3A_459 : i32
          %multiple_of3A_461 = tpu.assume_multiple %and3A_460, 8 : i32
          "tpu.region"() ({
            %run_scoped3A = tpu.sem_alloc : memref<!tpu.dma_semaphore, #tpu.memory_space<semaphore_mem>>
            %dma_start3A = tpu.memref_slice %arg5[%multiple_of3A_461] : memref<67601xi32, #tpu.memory_space<hbm>> -> memref<2064xi32, #tpu.memory_space<hbm>>
            %dma_start3A_462 = tpu.memref_slice %arg5[%multiple_of3A_461] : memref<67601xi32, #tpu.memory_space<hbm>> -> memref<2064xi32, #tpu.memory_space<hbm>>
            tpu.enqueue_dma source(%dma_start3A_462 : memref<2064xi32, #tpu.memory_space<hbm>>) target(%arg10 : memref<2064xi32, #tpu.memory_space<vmem>>) target_semaphore(%run_scoped3A : memref<!tpu.dma_semaphore, #tpu.memory_space<semaphore_mem>>)
            %dma_wait3A = tpu.memref_slice %arg5[%multiple_of3A_461] : memref<67601xi32, #tpu.memory_space<hbm>> -> memref<2064xi32, #tpu.memory_space<hbm>>
            %dma_wait3A_463 = tpu.memref_slice %arg5[%multiple_of3A_461] : memref<67601xi32, #tpu.memory_space<hbm>> -> memref<2064xi32, #tpu.memory_space<hbm>>
            tpu.wait_dma2 semaphore(%run_scoped3A : memref<!tpu.dma_semaphore, #tpu.memory_space<semaphore_mem>>) src(%dma_wait3A_463 : memref<2064xi32, #tpu.memory_space<hbm>>) dst(%arg10 : memref<2064xi32, #tpu.memory_space<vmem>>)
            tpu.yield
          }) : () -> ()
        } else {
        }
        %sub3A_411 = arith.subi %squeeze3A_366, %select_n3A : i32
        %get3A_412 = arith.index_cast %sub3A_411 : i32 to index
        %get3A_413 = tpu.vector_load %arg10[%get3A_412] {strides = array<i32>} : memref<2064xi32, #tpu.memory_space<vmem>>, vector<16xi32>,
        %slice3A_414 = vector.extract_strided_slice %get3A_413 {offsets = [0], sizes = [1], strides = [1]} : vector<16xi32> to vector<1xi32>
        %squeeze3A_415 = vector.extract %slice3A_414[0] : i32 from vector<1xi32>
        %gt3A_416 = arith.cmpi sgt, %squeeze3A_366, %squeeze3A_364 : i32
        %not3A = arith.constant true
        %not3A_417 = arith.xori %gt3A_416, %not3A : i1
        %or3A = arith.ori %while3A_402#1, %not3A_417 : i1
        %select_n3A_418 = arith.select %or3A, %broadcast_in_dim3A_31, %broadcast_in_dim3A_33 : vector<16xf32>
        %add3A_419 = arith.constant 512 : i32
        %add3A_420 = arith.addi %scan3A_355, %add3A_419 : i32
        %le3A = arith.cmpi sle, %squeeze3A_415, %add3A_420 : i32
        %convert_element_type3A_421 = arith.extui %le3A : i1 to i32
        %cond3A_422 = arith.constant 0 : i32
        %cond3A_423 = arith.cmpi ne, %convert_element_type3A_421, %cond3A_422 : i32
        %cond3A_424:6 = scf.if %cond3A_423 -> (i32, i32, vector<16xf32>, vector<16xf32>, vector<16xf32>, vector<16xf32>) {
          %sub3A_459 = arith.subi %scan3A_356, %scan3A_355 : i32
          %parallel_loop3A = arith.constant 1 : i32
          %parallel_loop3A_460:4 = scf.for %parallel_loop3A_461 = %scan3A_357 to %squeeze3A_415 step %parallel_loop3A iter_args(%parallel_loop3A_462 = %select_n3A_418, %parallel_loop3A_463 = %select_n3A_418, %parallel_loop3A_464 = %select_n3A_418, %parallel_loop3A_465 = %select_n3A_418) -> (vector<16xf32>, vector<16xf32>, vector<16xf32>, vector<16xf32>)  : i32 {
            %parallel_loop3A_466 = arith.addi %parallel_loop3A_461, %sub3A_459 : i32
            %parallel_loop3A_467 = arith.index_cast %parallel_loop3A_466 : i32 to index
            %parallel_loop3A_468 = arith.constant 0 : index
            %parallel_loop3A_469 = tpu.vector_load %arg14[%parallel_loop3A_467, %parallel_loop3A_468] {strides = array<i32>} : memref<1024x64xf32, #tpu.memory_space<vmem>>, vector<16xf32>,
            %parallel_loop3A_470 = arith.maximumf %parallel_loop3A_462, %parallel_loop3A_469 : vector<16xf32>
            %parallel_loop3A_471 = arith.index_cast %parallel_loop3A_466 : i32 to index
            %parallel_loop3A_472 = arith.constant 16 : index
            %parallel_loop3A_473 = tpu.vector_load %arg14[%parallel_loop3A_471, %parallel_loop3A_472] {strides = array<i32>} : memref<1024x64xf32, #tpu.memory_space<vmem>>, vector<16xf32>,
            %parallel_loop3A_474 = arith.maximumf %parallel_loop3A_463, %parallel_loop3A_473 : vector<16xf32>
            %parallel_loop3A_475 = arith.index_cast %parallel_loop3A_466 : i32 to index
            %parallel_loop3A_476 = arith.constant 32 : index
            %parallel_loop3A_477 = tpu.vector_load %arg14[%parallel_loop3A_475, %parallel_loop3A_476] {strides = array<i32>} : memref<1024x64xf32, #tpu.memory_space<vmem>>, vector<16xf32>,
            %parallel_loop3A_478 = arith.maximumf %parallel_loop3A_464, %parallel_loop3A_477 : vector<16xf32>
            %parallel_loop3A_479 = arith.index_cast %parallel_loop3A_466 : i32 to index
            %parallel_loop3A_480 = arith.constant 48 : index
            %parallel_loop3A_481 = tpu.vector_load %arg14[%parallel_loop3A_479, %parallel_loop3A_480] {strides = array<i32>} : memref<1024x64xf32, #tpu.memory_space<vmem>>, vector<16xf32>,
            %parallel_loop3A_482 = arith.maximumf %parallel_loop3A_465, %parallel_loop3A_481 : vector<16xf32>
            scf.yield %parallel_loop3A_470, %parallel_loop3A_474, %parallel_loop3A_478, %parallel_loop3A_482 : vector<16xf32>, vector<16xf32>, vector<16xf32>, vector<16xf32>
          } {sc.loop_unroll_factor = 2 : i64, sc.parallel_access}
          scf.yield %scan3A_355, %scan3A_356, %parallel_loop3A_460#0, %parallel_loop3A_460#1, %parallel_loop3A_460#2, %parallel_loop3A_460#3 : i32, i32, vector<16xf32>, vector<16xf32>, vector<16xf32>, vector<16xf32>
        } else {
          %add3A_459 = arith.constant 512 : i32
          %add3A_460 = arith.addi %scan3A_355, %add3A_459 : i32
          %ge3A = arith.cmpi sge, %scan3A_357, %add3A_460 : i32
          %add3A_461 = arith.constant 512 : i32
          %add3A_462 = arith.addi %add3A_460, %add3A_461 : i32
          %select_n3A_463 = arith.select %ge3A, %add3A_462, %add3A_460 : i32
          %le3A_464 = arith.cmpi sle, %squeeze3A_415, %select_n3A_463 : i32
          %sub3A_465 = arith.subi %squeeze3A_415, %select_n3A_463 : i32
          %add3A_466 = arith.constant 512 : i32
          %add3A_467 = arith.addi %sub3A_465, %add3A_466 : i32
          %sub3A_468 = arith.constant 1 : i32
          %sub3A_469 = arith.subi %add3A_467, %sub3A_468 : i32
          %shift_right_arithmetic3A_470 = arith.constant 9 : i32
          %shift_right_arithmetic3A_471 = arith.shrsi %sub3A_469, %shift_right_arithmetic3A_470 : i32
          %add3A_472 = arith.constant 1 : i32
          %add3A_473 = arith.addi %add3A_472, %shift_right_arithmetic3A_471 : i32
          %jit3A = arith.constant 1 : i32
          %select_n3A_474 = arith.select %le3A_464, %jit3A, %add3A_473 : i32
          %gt3A_475 = arith.cmpi sgt, %squeeze3A_415, %scan3A_357 : i32
          %jit3A_476 = arith.constant 0 : i32
          %select_n3A_477 = arith.select %gt3A_475, %select_n3A_474, %jit3A_476 : i32
          %while3A_478 = arith.constant 0 : i32
          %while3A_479 = arith.subi %select_n3A_477, %while3A_478 : i32
          %while3A_480 = arith.addi %while3A_478, %while3A_479 : i32
          %while3A_481 = arith.constant 1 : i32
          %while3A_482 = arith.divsi %while3A_479, %while3A_481 : i32
          %while3A_483 = arith.muli %while3A_482, %while3A_481 : i32
          %while3A_484 = arith.addi %while3A_478, %while3A_483 : i32
          %while3A_485 = arith.constant 1 : i32
          %while3A_486:7 = scf.for %while3A_489 = %while3A_478 to %while3A_484 step %while3A_485 iter_args(%while3A_490 = %scan3A_357, %while3A_491 = %scan3A_355, %while3A_492 = %scan3A_356, %while3A_493 = %select_n3A_418, %while3A_494 = %select_n3A_418, %while3A_495 = %select_n3A_418, %while3A_496 = %select_n3A_418) -> (i32, i32, i32, vector<16xf32>, vector<16xf32>, vector<16xf32>, vector<16xf32>)  : i32 {
            %add3A_497 = arith.constant 512 : i32
            %add3A_498 = arith.addi %while3A_491, %add3A_497 : i32
            %ge3A_499 = arith.cmpi sge, %while3A_490, %add3A_498 : i32
            %sub3A_500 = arith.subi %while3A_490, %multiple_of3A_23 : i32
            %shift_right_arithmetic3A_501 = arith.constant 9 : i32
            %shift_right_arithmetic3A_502 = arith.shrsi %sub3A_500, %shift_right_arithmetic3A_501 : i32
            %shift_left3A = arith.constant 9 : i32
            %shift_left3A_503 = arith.shli %shift_right_arithmetic3A_502, %shift_left3A : i32
            %add3A_504 = arith.addi %multiple_of3A_23, %shift_left3A_503 : i32
            %select_n3A_505 = arith.select %ge3A_499, %add3A_504, %while3A_491 : i32
            %and3A_506 = arith.constant 1 : i32
            %and3A_507 = arith.andi %shift_right_arithmetic3A_502, %and3A_506 : i32
            %shift_left3A_508 = arith.constant 9 : i32
            %shift_left3A_509 = arith.shli %and3A_507, %shift_left3A_508 : i32
            %select_n3A_510 = arith.select %ge3A_499, %shift_left3A_509, %while3A_492 : i32
            %convert_element_type3A_511 = arith.extui %ge3A_499 : i1 to i32
            %cond3A_512 = arith.constant 0 : i32
            %cond3A_513 = arith.cmpi ne, %convert_element_type3A_511, %cond3A_512 : i32
            scf.if %cond3A_513 {
              %and3A_518 = arith.constant 1 : i32
              %and3A_519 = arith.andi %shift_right_arithmetic3A_502, %and3A_518 : i32
              %eq3A_520 = arith.constant 0 : i32
              %eq3A_521 = arith.cmpi eq, %and3A_519, %eq3A_520 : i32
              %add3A_522 = arith.constant 1 : i32
              %add3A_523 = arith.addi %shift_right_arithmetic3A_502, %add3A_522 : i32
              %shift_left3A_524 = arith.constant 9 : i32
              %shift_left3A_525 = arith.shli %add3A_523, %shift_left3A_524 : i32
              %add3A_526 = arith.addi %multiple_of3A_23, %shift_left3A_525 : i32
              %multiple_of3A_527 = tpu.assume_multiple %add3A_526, 8 : i32
              %lt3A_528 = arith.cmpi slt, %multiple_of3A_527, %squeeze3A_20 : i32
              %convert_element_type3A_529 = arith.extui %eq3A_521 : i1 to i32
              %cond3A_530 = arith.constant 0 : i32
              %cond3A_531 = arith.cmpi ne, %convert_element_type3A_529, %cond3A_530 : i32
              scf.if %cond3A_531 {
                %dma_wait3A = arith.constant 0 : i32
                %dma_wait3A_537 = arith.constant 0 : i32
                %dma_wait3A_538 = tpu.memref_slice %arg14[%dma_wait3A, %dma_wait3A_537] : memref<1024x64xf32, #tpu.memory_space<vmem>> -> memref<512x64xf32, #tpu.memory_space<vmem>>
                %dma_wait3A_539 = arith.constant 0 : i32
                %dma_wait3A_540 = arith.constant 0 : i32
                %dma_wait3A_541 = tpu.memref_slice %arg3[%dma_wait3A_539, %dma_wait3A_540] : memref<131072x64xf32, #tpu.memory_space<hbm>> -> memref<131072x64xf32, #tpu.memory_space<hbm>>
                tpu.wait_indirect_dma semaphore(%arg18 : memref<!tpu.dma_semaphore, #tpu.memory_space<semaphore_mem>>) src(%dma_wait3A_541 : memref<131072x64xf32, #tpu.memory_space<hbm>>) dst(%dma_wait3A_538 : memref<512x64xf32, #tpu.memory_space<vmem>>)
                %convert_element_type3A_542 = arith.extui %lt3A_528 : i1 to i32
                %cond3A_543 = arith.constant 0 : i32
                %cond3A_544 = arith.cmpi ne, %convert_element_type3A_542, %cond3A_543 : i32
                scf.if %cond3A_544 {
                  "tpu.region"() ({
                    %run_scoped3A = tpu.sem_alloc : memref<!tpu.dma_semaphore, #tpu.memory_space<semaphore_mem>>
                    %dma_start3A_550 = tpu.memref_slice %arg4[%multiple_of3A_527] : memref<262656xi32, #tpu.memory_space<hbm>> -> memref<512xi32, #tpu.memory_space<hbm>>
                    %dma_start3A_551 = tpu.memref_slice %arg4[%multiple_of3A_527] : memref<262656xi32, #tpu.memory_space<hbm>> -> memref<512xi32, #tpu.memory_space<hbm>>
                    tpu.enqueue_dma source(%dma_start3A_551 : memref<512xi32, #tpu.memory_space<hbm>>) target(%arg13 : memref<512xi32, #tpu.memory_space<vmem>>) target_semaphore(%run_scoped3A : memref<!tpu.dma_semaphore, #tpu.memory_space<semaphore_mem>>)
                    %dma_wait3A_552 = tpu.memref_slice %arg4[%multiple_of3A_527] : memref<262656xi32, #tpu.memory_space<hbm>> -> memref<512xi32, #tpu.memory_space<hbm>>
                    %dma_wait3A_553 = tpu.memref_slice %arg4[%multiple_of3A_527] : memref<262656xi32, #tpu.memory_space<hbm>> -> memref<512xi32, #tpu.memory_space<hbm>>
                    tpu.wait_dma2 semaphore(%run_scoped3A : memref<!tpu.dma_semaphore, #tpu.memory_space<semaphore_mem>>) src(%dma_wait3A_553 : memref<512xi32, #tpu.memory_space<hbm>>) dst(%arg13 : memref<512xi32, #tpu.memory_space<vmem>>)
                    tpu.yield
                  }) : () -> ()
                  %dma_start3A = arith.constant 512 : i32
                  %dma_start3A_545 = arith.constant 0 : i32
                  %dma_start3A_546 = tpu.memref_slice %arg14[%dma_start3A, %dma_start3A_545] : memref<1024x64xf32, #tpu.memory_space<vmem>> -> memref<512x64xf32, #tpu.memory_space<vmem>>
                  %dma_start3A_547 = arith.constant 0 : i32
                  %dma_start3A_548 = arith.constant 0 : i32
                  %dma_start3A_549 = tpu.memref_slice %arg3[%dma_start3A_547, %dma_start3A_548] : memref<131072x64xf32, #tpu.memory_space<hbm>> -> memref<131072x64xf32, #tpu.memory_space<hbm>>
                  tpu.enqueue_indirect_dma source(%dma_start3A_549 : memref<131072x64xf32, #tpu.memory_space<hbm>>) target(%dma_start3A_546 : memref<512x64xf32, #tpu.memory_space<vmem>>) offsets(%arg13 : memref<512xi32, #tpu.memory_space<vmem>>) semaphore(%arg19 : memref<!tpu.dma_semaphore, #tpu.memory_space<semaphore_mem>>)
                } else {
                }
              } else {
              }
              %not3A_532 = arith.constant true
              %not3A_533 = arith.xori %eq3A_521, %not3A_532 : i1
              %convert_element_type3A_534 = arith.extui %not3A_533 : i1 to i32
              %cond3A_535 = arith.constant 0 : i32
              %cond3A_536 = arith.cmpi ne, %convert_element_type3A_534, %cond3A_535 : i32
              scf.if %cond3A_536 {
                %dma_wait3A = arith.constant 512 : i32
                %dma_wait3A_537 = arith.constant 0 : i32
                %dma_wait3A_538 = tpu.memref_slice %arg14[%dma_wait3A, %dma_wait3A_537] : memref<1024x64xf32, #tpu.memory_space<vmem>> -> memref<512x64xf32, #tpu.memory_space<vmem>>
                %dma_wait3A_539 = arith.constant 0 : i32
                %dma_wait3A_540 = arith.constant 0 : i32
                %dma_wait3A_541 = tpu.memref_slice %arg3[%dma_wait3A_539, %dma_wait3A_540] : memref<131072x64xf32, #tpu.memory_space<hbm>> -> memref<131072x64xf32, #tpu.memory_space<hbm>>
                tpu.wait_indirect_dma semaphore(%arg19 : memref<!tpu.dma_semaphore, #tpu.memory_space<semaphore_mem>>) src(%dma_wait3A_541 : memref<131072x64xf32, #tpu.memory_space<hbm>>) dst(%dma_wait3A_538 : memref<512x64xf32, #tpu.memory_space<vmem>>)
                %convert_element_type3A_542 = arith.extui %lt3A_528 : i1 to i32
                %cond3A_543 = arith.constant 0 : i32
                %cond3A_544 = arith.cmpi ne, %convert_element_type3A_542, %cond3A_543 : i32
                scf.if %cond3A_544 {
                  "tpu.region"() ({
                    %run_scoped3A = tpu.sem_alloc : memref<!tpu.dma_semaphore, #tpu.memory_space<semaphore_mem>>
                    %dma_start3A_550 = tpu.memref_slice %arg4[%multiple_of3A_527] : memref<262656xi32, #tpu.memory_space<hbm>> -> memref<512xi32, #tpu.memory_space<hbm>>
                    %dma_start3A_551 = tpu.memref_slice %arg4[%multiple_of3A_527] : memref<262656xi32, #tpu.memory_space<hbm>> -> memref<512xi32, #tpu.memory_space<hbm>>
                    tpu.enqueue_dma source(%dma_start3A_551 : memref<512xi32, #tpu.memory_space<hbm>>) target(%arg12 : memref<512xi32, #tpu.memory_space<vmem>>) target_semaphore(%run_scoped3A : memref<!tpu.dma_semaphore, #tpu.memory_space<semaphore_mem>>)
                    %dma_wait3A_552 = tpu.memref_slice %arg4[%multiple_of3A_527] : memref<262656xi32, #tpu.memory_space<hbm>> -> memref<512xi32, #tpu.memory_space<hbm>>
                    %dma_wait3A_553 = tpu.memref_slice %arg4[%multiple_of3A_527] : memref<262656xi32, #tpu.memory_space<hbm>> -> memref<512xi32, #tpu.memory_space<hbm>>
                    tpu.wait_dma2 semaphore(%run_scoped3A : memref<!tpu.dma_semaphore, #tpu.memory_space<semaphore_mem>>) src(%dma_wait3A_553 : memref<512xi32, #tpu.memory_space<hbm>>) dst(%arg12 : memref<512xi32, #tpu.memory_space<vmem>>)
                    tpu.yield
                  }) : () -> ()
                  %dma_start3A = arith.constant 0 : i32
                  %dma_start3A_545 = arith.constant 0 : i32
                  %dma_start3A_546 = tpu.memref_slice %arg14[%dma_start3A, %dma_start3A_545] : memref<1024x64xf32, #tpu.memory_space<vmem>> -> memref<512x64xf32, #tpu.memory_space<vmem>>
                  %dma_start3A_547 = arith.constant 0 : i32
                  %dma_start3A_548 = arith.constant 0 : i32
                  %dma_start3A_549 = tpu.memref_slice %arg3[%dma_start3A_547, %dma_start3A_548] : memref<131072x64xf32, #tpu.memory_space<hbm>> -> memref<131072x64xf32, #tpu.memory_space<hbm>>
                  tpu.enqueue_indirect_dma source(%dma_start3A_549 : memref<131072x64xf32, #tpu.memory_space<hbm>>) target(%dma_start3A_546 : memref<512x64xf32, #tpu.memory_space<vmem>>) offsets(%arg12 : memref<512xi32, #tpu.memory_space<vmem>>) semaphore(%arg18 : memref<!tpu.dma_semaphore, #tpu.memory_space<semaphore_mem>>)
                } else {
                }
              } else {
              }
            } else {
            }
            %add3A_514 = arith.constant 512 : i32
            %add3A_515 = arith.addi %select_n3A_505, %add3A_514 : i32
            %min3A = arith.minsi %squeeze3A_415, %add3A_515 : i32
            %max3A = arith.maxsi %while3A_490, %min3A : i32
            %sub3A_516 = arith.subi %select_n3A_510, %select_n3A_505 : i32
            %parallel_loop3A = arith.constant 1 : i32
            %parallel_loop3A_517:4 = scf.for %parallel_loop3A_518 = %while3A_490 to %max3A step %parallel_loop3A iter_args(%parallel_loop3A_519 = %while3A_493, %parallel_loop3A_520 = %while3A_494, %parallel_loop3A_521 = %while3A_495, %parallel_loop3A_522 = %while3A_496) -> (vector<16xf32>, vector<16xf32>, vector<16xf32>, vector<16xf32>)  : i32 {
              %parallel_loop3A_523 = arith.addi %parallel_loop3A_518, %sub3A_516 : i32
              %parallel_loop3A_524 = arith.index_cast %parallel_loop3A_523 : i32 to index
              %parallel_loop3A_525 = arith.constant 0 : index
              %parallel_loop3A_526 = tpu.vector_load %arg14[%parallel_loop3A_524, %parallel_loop3A_525] {strides = array<i32>} : memref<1024x64xf32, #tpu.memory_space<vmem>>, vector<16xf32>,
              %parallel_loop3A_527 = arith.maximumf %parallel_loop3A_519, %parallel_loop3A_526 : vector<16xf32>
              %parallel_loop3A_528 = arith.index_cast %parallel_loop3A_523 : i32 to index
              %parallel_loop3A_529 = arith.constant 16 : index
              %parallel_loop3A_530 = tpu.vector_load %arg14[%parallel_loop3A_528, %parallel_loop3A_529] {strides = array<i32>} : memref<1024x64xf32, #tpu.memory_space<vmem>>, vector<16xf32>,
              %parallel_loop3A_531 = arith.maximumf %parallel_loop3A_520, %parallel_loop3A_530 : vector<16xf32>
              %parallel_loop3A_532 = arith.index_cast %parallel_loop3A_523 : i32 to index
              %parallel_loop3A_533 = arith.constant 32 : index
              %parallel_loop3A_534 = tpu.vector_load %arg14[%parallel_loop3A_532, %parallel_loop3A_533] {strides = array<i32>} : memref<1024x64xf32, #tpu.memory_space<vmem>>, vector<16xf32>,
              %parallel_loop3A_535 = arith.maximumf %parallel_loop3A_521, %parallel_loop3A_534 : vector<16xf32>
              %parallel_loop3A_536 = arith.index_cast %parallel_loop3A_523 : i32 to index
              %parallel_loop3A_537 = arith.constant 48 : index
              %parallel_loop3A_538 = tpu.vector_load %arg14[%parallel_loop3A_536, %parallel_loop3A_537] {strides = array<i32>} : memref<1024x64xf32, #tpu.memory_space<vmem>>, vector<16xf32>,
              %parallel_loop3A_539 = arith.maximumf %parallel_loop3A_522, %parallel_loop3A_538 : vector<16xf32>
              scf.yield %parallel_loop3A_527, %parallel_loop3A_531, %parallel_loop3A_535, %parallel_loop3A_539 : vector<16xf32>, vector<16xf32>, vector<16xf32>, vector<16xf32>
            } {sc.loop_unroll_factor = 4 : i64, sc.parallel_access}
            scf.yield %max3A, %select_n3A_505, %select_n3A_510, %parallel_loop3A_517#0, %parallel_loop3A_517#1, %parallel_loop3A_517#2, %parallel_loop3A_517#3 : i32, i32, i32, vector<16xf32>, vector<16xf32>, vector<16xf32>, vector<16xf32>
          }
          %while3A_487 = arith.constant 1 : i32
          %while3A_488:7 = scf.for %while3A_489 = %while3A_484 to %while3A_480 step %while3A_487 iter_args(%while3A_490 = %while3A_486#0, %while3A_491 = %while3A_486#1, %while3A_492 = %while3A_486#2, %while3A_493 = %while3A_486#3, %while3A_494 = %while3A_486#4, %while3A_495 = %while3A_486#5, %while3A_496 = %while3A_486#6) -> (i32, i32, i32, vector<16xf32>, vector<16xf32>, vector<16xf32>, vector<16xf32>)  : i32 {
            %add3A_497 = arith.constant 512 : i32
            %add3A_498 = arith.addi %while3A_491, %add3A_497 : i32
            %ge3A_499 = arith.cmpi sge, %while3A_490, %add3A_498 : i32
            %sub3A_500 = arith.subi %while3A_490, %multiple_of3A_23 : i32
            %shift_right_arithmetic3A_501 = arith.constant 9 : i32
            %shift_right_arithmetic3A_502 = arith.shrsi %sub3A_500, %shift_right_arithmetic3A_501 : i32
            %shift_left3A = arith.constant 9 : i32
            %shift_left3A_503 = arith.shli %shift_right_arithmetic3A_502, %shift_left3A : i32
            %add3A_504 = arith.addi %multiple_of3A_23, %shift_left3A_503 : i32
            %select_n3A_505 = arith.select %ge3A_499, %add3A_504, %while3A_491 : i32
            %and3A_506 = arith.constant 1 : i32
            %and3A_507 = arith.andi %shift_right_arithmetic3A_502, %and3A_506 : i32
            %shift_left3A_508 = arith.constant 9 : i32
            %shift_left3A_509 = arith.shli %and3A_507, %shift_left3A_508 : i32
            %select_n3A_510 = arith.select %ge3A_499, %shift_left3A_509, %while3A_492 : i32
            %convert_element_type3A_511 = arith.extui %ge3A_499 : i1 to i32
            %cond3A_512 = arith.constant 0 : i32
            %cond3A_513 = arith.cmpi ne, %convert_element_type3A_511, %cond3A_512 : i32
            scf.if %cond3A_513 {
              %and3A_518 = arith.constant 1 : i32
              %and3A_519 = arith.andi %shift_right_arithmetic3A_502, %and3A_518 : i32
              %eq3A_520 = arith.constant 0 : i32
              %eq3A_521 = arith.cmpi eq, %and3A_519, %eq3A_520 : i32
              %add3A_522 = arith.constant 1 : i32
              %add3A_523 = arith.addi %shift_right_arithmetic3A_502, %add3A_522 : i32
              %shift_left3A_524 = arith.constant 9 : i32
              %shift_left3A_525 = arith.shli %add3A_523, %shift_left3A_524 : i32
              %add3A_526 = arith.addi %multiple_of3A_23, %shift_left3A_525 : i32
              %multiple_of3A_527 = tpu.assume_multiple %add3A_526, 8 : i32
              %lt3A_528 = arith.cmpi slt, %multiple_of3A_527, %squeeze3A_20 : i32
              %convert_element_type3A_529 = arith.extui %eq3A_521 : i1 to i32
              %cond3A_530 = arith.constant 0 : i32
              %cond3A_531 = arith.cmpi ne, %convert_element_type3A_529, %cond3A_530 : i32
              scf.if %cond3A_531 {
                %dma_wait3A = arith.constant 0 : i32
                %dma_wait3A_537 = arith.constant 0 : i32
                %dma_wait3A_538 = tpu.memref_slice %arg14[%dma_wait3A, %dma_wait3A_537] : memref<1024x64xf32, #tpu.memory_space<vmem>> -> memref<512x64xf32, #tpu.memory_space<vmem>>
                %dma_wait3A_539 = arith.constant 0 : i32
                %dma_wait3A_540 = arith.constant 0 : i32
                %dma_wait3A_541 = tpu.memref_slice %arg3[%dma_wait3A_539, %dma_wait3A_540] : memref<131072x64xf32, #tpu.memory_space<hbm>> -> memref<131072x64xf32, #tpu.memory_space<hbm>>
                tpu.wait_indirect_dma semaphore(%arg18 : memref<!tpu.dma_semaphore, #tpu.memory_space<semaphore_mem>>) src(%dma_wait3A_541 : memref<131072x64xf32, #tpu.memory_space<hbm>>) dst(%dma_wait3A_538 : memref<512x64xf32, #tpu.memory_space<vmem>>)
                %convert_element_type3A_542 = arith.extui %lt3A_528 : i1 to i32
                %cond3A_543 = arith.constant 0 : i32
                %cond3A_544 = arith.cmpi ne, %convert_element_type3A_542, %cond3A_543 : i32
                scf.if %cond3A_544 {
                  "tpu.region"() ({
                    %run_scoped3A = tpu.sem_alloc : memref<!tpu.dma_semaphore, #tpu.memory_space<semaphore_mem>>
                    %dma_start3A_550 = tpu.memref_slice %arg4[%multiple_of3A_527] : memref<262656xi32, #tpu.memory_space<hbm>> -> memref<512xi32, #tpu.memory_space<hbm>>
                    %dma_start3A_551 = tpu.memref_slice %arg4[%multiple_of3A_527] : memref<262656xi32, #tpu.memory_space<hbm>> -> memref<512xi32, #tpu.memory_space<hbm>>
                    tpu.enqueue_dma source(%dma_start3A_551 : memref<512xi32, #tpu.memory_space<hbm>>) target(%arg13 : memref<512xi32, #tpu.memory_space<vmem>>) target_semaphore(%run_scoped3A : memref<!tpu.dma_semaphore, #tpu.memory_space<semaphore_mem>>)
                    %dma_wait3A_552 = tpu.memref_slice %arg4[%multiple_of3A_527] : memref<262656xi32, #tpu.memory_space<hbm>> -> memref<512xi32, #tpu.memory_space<hbm>>
                    %dma_wait3A_553 = tpu.memref_slice %arg4[%multiple_of3A_527] : memref<262656xi32, #tpu.memory_space<hbm>> -> memref<512xi32, #tpu.memory_space<hbm>>
                    tpu.wait_dma2 semaphore(%run_scoped3A : memref<!tpu.dma_semaphore, #tpu.memory_space<semaphore_mem>>) src(%dma_wait3A_553 : memref<512xi32, #tpu.memory_space<hbm>>) dst(%arg13 : memref<512xi32, #tpu.memory_space<vmem>>)
                    tpu.yield
                  }) : () -> ()
                  %dma_start3A = arith.constant 512 : i32
                  %dma_start3A_545 = arith.constant 0 : i32
                  %dma_start3A_546 = tpu.memref_slice %arg14[%dma_start3A, %dma_start3A_545] : memref<1024x64xf32, #tpu.memory_space<vmem>> -> memref<512x64xf32, #tpu.memory_space<vmem>>
                  %dma_start3A_547 = arith.constant 0 : i32
                  %dma_start3A_548 = arith.constant 0 : i32
                  %dma_start3A_549 = tpu.memref_slice %arg3[%dma_start3A_547, %dma_start3A_548] : memref<131072x64xf32, #tpu.memory_space<hbm>> -> memref<131072x64xf32, #tpu.memory_space<hbm>>
                  tpu.enqueue_indirect_dma source(%dma_start3A_549 : memref<131072x64xf32, #tpu.memory_space<hbm>>) target(%dma_start3A_546 : memref<512x64xf32, #tpu.memory_space<vmem>>) offsets(%arg13 : memref<512xi32, #tpu.memory_space<vmem>>) semaphore(%arg19 : memref<!tpu.dma_semaphore, #tpu.memory_space<semaphore_mem>>)
                } else {
                }
              } else {
              }
              %not3A_532 = arith.constant true
              %not3A_533 = arith.xori %eq3A_521, %not3A_532 : i1
              %convert_element_type3A_534 = arith.extui %not3A_533 : i1 to i32
              %cond3A_535 = arith.constant 0 : i32
              %cond3A_536 = arith.cmpi ne, %convert_element_type3A_534, %cond3A_535 : i32
              scf.if %cond3A_536 {
                %dma_wait3A = arith.constant 512 : i32
                %dma_wait3A_537 = arith.constant 0 : i32
                %dma_wait3A_538 = tpu.memref_slice %arg14[%dma_wait3A, %dma_wait3A_537] : memref<1024x64xf32, #tpu.memory_space<vmem>> -> memref<512x64xf32, #tpu.memory_space<vmem>>
                %dma_wait3A_539 = arith.constant 0 : i32
                %dma_wait3A_540 = arith.constant 0 : i32
                %dma_wait3A_541 = tpu.memref_slice %arg3[%dma_wait3A_539, %dma_wait3A_540] : memref<131072x64xf32, #tpu.memory_space<hbm>> -> memref<131072x64xf32, #tpu.memory_space<hbm>>
                tpu.wait_indirect_dma semaphore(%arg19 : memref<!tpu.dma_semaphore, #tpu.memory_space<semaphore_mem>>) src(%dma_wait3A_541 : memref<131072x64xf32, #tpu.memory_space<hbm>>) dst(%dma_wait3A_538 : memref<512x64xf32, #tpu.memory_space<vmem>>)
                %convert_element_type3A_542 = arith.extui %lt3A_528 : i1 to i32
                %cond3A_543 = arith.constant 0 : i32
                %cond3A_544 = arith.cmpi ne, %convert_element_type3A_542, %cond3A_543 : i32
                scf.if %cond3A_544 {
                  "tpu.region"() ({
                    %run_scoped3A = tpu.sem_alloc : memref<!tpu.dma_semaphore, #tpu.memory_space<semaphore_mem>>
                    %dma_start3A_550 = tpu.memref_slice %arg4[%multiple_of3A_527] : memref<262656xi32, #tpu.memory_space<hbm>> -> memref<512xi32, #tpu.memory_space<hbm>>
                    %dma_start3A_551 = tpu.memref_slice %arg4[%multiple_of3A_527] : memref<262656xi32, #tpu.memory_space<hbm>> -> memref<512xi32, #tpu.memory_space<hbm>>
                    tpu.enqueue_dma source(%dma_start3A_551 : memref<512xi32, #tpu.memory_space<hbm>>) target(%arg12 : memref<512xi32, #tpu.memory_space<vmem>>) target_semaphore(%run_scoped3A : memref<!tpu.dma_semaphore, #tpu.memory_space<semaphore_mem>>)
                    %dma_wait3A_552 = tpu.memref_slice %arg4[%multiple_of3A_527] : memref<262656xi32, #tpu.memory_space<hbm>> -> memref<512xi32, #tpu.memory_space<hbm>>
                    %dma_wait3A_553 = tpu.memref_slice %arg4[%multiple_of3A_527] : memref<262656xi32, #tpu.memory_space<hbm>> -> memref<512xi32, #tpu.memory_space<hbm>>
                    tpu.wait_dma2 semaphore(%run_scoped3A : memref<!tpu.dma_semaphore, #tpu.memory_space<semaphore_mem>>) src(%dma_wait3A_553 : memref<512xi32, #tpu.memory_space<hbm>>) dst(%arg12 : memref<512xi32, #tpu.memory_space<vmem>>)
                    tpu.yield
                  }) : () -> ()
                  %dma_start3A = arith.constant 0 : i32
                  %dma_start3A_545 = arith.constant 0 : i32
                  %dma_start3A_546 = tpu.memref_slice %arg14[%dma_start3A, %dma_start3A_545] : memref<1024x64xf32, #tpu.memory_space<vmem>> -> memref<512x64xf32, #tpu.memory_space<vmem>>
                  %dma_start3A_547 = arith.constant 0 : i32
                  %dma_start3A_548 = arith.constant 0 : i32
                  %dma_start3A_549 = tpu.memref_slice %arg3[%dma_start3A_547, %dma_start3A_548] : memref<131072x64xf32, #tpu.memory_space<hbm>> -> memref<131072x64xf32, #tpu.memory_space<hbm>>
                  tpu.enqueue_indirect_dma source(%dma_start3A_549 : memref<131072x64xf32, #tpu.memory_space<hbm>>) target(%dma_start3A_546 : memref<512x64xf32, #tpu.memory_space<vmem>>) offsets(%arg12 : memref<512xi32, #tpu.memory_space<vmem>>) semaphore(%arg18 : memref<!tpu.dma_semaphore, #tpu.memory_space<semaphore_mem>>)
                } else {
                }
              } else {
              }
            } else {
            }
            %add3A_514 = arith.constant 512 : i32
            %add3A_515 = arith.addi %select_n3A_505, %add3A_514 : i32
            %min3A = arith.minsi %squeeze3A_415, %add3A_515 : i32
            %max3A = arith.maxsi %while3A_490, %min3A : i32
            %sub3A_516 = arith.subi %select_n3A_510, %select_n3A_505 : i32
            %parallel_loop3A = arith.constant 1 : i32
            %parallel_loop3A_517:4 = scf.for %parallel_loop3A_518 = %while3A_490 to %max3A step %parallel_loop3A iter_args(%parallel_loop3A_519 = %while3A_493, %parallel_loop3A_520 = %while3A_494, %parallel_loop3A_521 = %while3A_495, %parallel_loop3A_522 = %while3A_496) -> (vector<16xf32>, vector<16xf32>, vector<16xf32>, vector<16xf32>)  : i32 {
              %parallel_loop3A_523 = arith.addi %parallel_loop3A_518, %sub3A_516 : i32
              %parallel_loop3A_524 = arith.index_cast %parallel_loop3A_523 : i32 to index
              %parallel_loop3A_525 = arith.constant 0 : index
              %parallel_loop3A_526 = tpu.vector_load %arg14[%parallel_loop3A_524, %parallel_loop3A_525] {strides = array<i32>} : memref<1024x64xf32, #tpu.memory_space<vmem>>, vector<16xf32>,
              %parallel_loop3A_527 = arith.maximumf %parallel_loop3A_519, %parallel_loop3A_526 : vector<16xf32>
              %parallel_loop3A_528 = arith.index_cast %parallel_loop3A_523 : i32 to index
              %parallel_loop3A_529 = arith.constant 16 : index
              %parallel_loop3A_530 = tpu.vector_load %arg14[%parallel_loop3A_528, %parallel_loop3A_529] {strides = array<i32>} : memref<1024x64xf32, #tpu.memory_space<vmem>>, vector<16xf32>,
              %parallel_loop3A_531 = arith.maximumf %parallel_loop3A_520, %parallel_loop3A_530 : vector<16xf32>
              %parallel_loop3A_532 = arith.index_cast %parallel_loop3A_523 : i32 to index
              %parallel_loop3A_533 = arith.constant 32 : index
              %parallel_loop3A_534 = tpu.vector_load %arg14[%parallel_loop3A_532, %parallel_loop3A_533] {strides = array<i32>} : memref<1024x64xf32, #tpu.memory_space<vmem>>, vector<16xf32>,
              %parallel_loop3A_535 = arith.maximumf %parallel_loop3A_521, %parallel_loop3A_534 : vector<16xf32>
              %parallel_loop3A_536 = arith.index_cast %parallel_loop3A_523 : i32 to index
              %parallel_loop3A_537 = arith.constant 48 : index
              %parallel_loop3A_538 = tpu.vector_load %arg14[%parallel_loop3A_536, %parallel_loop3A_537] {strides = array<i32>} : memref<1024x64xf32, #tpu.memory_space<vmem>>, vector<16xf32>,
              %parallel_loop3A_539 = arith.maximumf %parallel_loop3A_522, %parallel_loop3A_538 : vector<16xf32>
              scf.yield %parallel_loop3A_527, %parallel_loop3A_531, %parallel_loop3A_535, %parallel_loop3A_539 : vector<16xf32>, vector<16xf32>, vector<16xf32>, vector<16xf32>
            } {sc.loop_unroll_factor = 4 : i64, sc.parallel_access}
            scf.yield %max3A, %select_n3A_505, %select_n3A_510, %parallel_loop3A_517#0, %parallel_loop3A_517#1, %parallel_loop3A_517#2, %parallel_loop3A_517#3 : i32, i32, i32, vector<16xf32>, vector<16xf32>, vector<16xf32>, vector<16xf32>
          }
          scf.yield %while3A_488#1, %while3A_488#2, %while3A_488#3, %while3A_488#4, %while3A_488#5, %while3A_488#6 : i32, i32, vector<16xf32>, vector<16xf32>, vector<16xf32>, vector<16xf32>
        }
        %mul3A_425 = arith.constant 64 : i32
        %mul3A_426 = arith.muli %scan3A_353, %mul3A_425 : i32
        %get3A_427 = arith.index_cast %mul3A_426 : i32 to index
        %get3A_428 = tpu.vector_load %arg15[%get3A_427] {strides = array<i32>} : memref<16384xf32, #tpu.memory_space<vmem>>, vector<16xf32>,
        %add3A_429 = arith.addf %get3A_428, %cond3A_424#2 : vector<16xf32>
        %swap3A_430 = arith.index_cast %mul3A_426 : i32 to index
        %swap3A_431 = tpu.vector_load %arg16[%swap3A_430] {strides = array<i32>} : memref<16384xf32, #tpu.memory_space<vmem>>, vector<16xf32>,
        tpu.vector_store %arg16[%swap3A_430], %add3A_429 {strides = array<i32>} : memref<16384xf32, #tpu.memory_space<vmem>>, vector<16xf32>,
        %add3A_432 = arith.constant 16 : i32
        %add3A_433 = arith.addi %mul3A_426, %add3A_432 : i32
        %get3A_434 = arith.index_cast %add3A_433 : i32 to index
        %get3A_435 = tpu.vector_load %arg15[%get3A_434] {strides = array<i32>} : memref<16384xf32, #tpu.memory_space<vmem>>, vector<16xf32>,
        %add3A_436 = arith.addf %get3A_435, %cond3A_424#3 : vector<16xf32>
        %add3A_437 = arith.constant 16 : i32
        %add3A_438 = arith.addi %mul3A_426, %add3A_437 : i32
        %swap3A_439 = arith.index_cast %add3A_438 : i32 to index
        %swap3A_440 = tpu.vector_load %arg16[%swap3A_439] {strides = array<i32>} : memref<16384xf32, #tpu.memory_space<vmem>>, vector<16xf32>,
        tpu.vector_store %arg16[%swap3A_439], %add3A_436 {strides = array<i32>} : memref<16384xf32, #tpu.memory_space<vmem>>, vector<16xf32>,
        %add3A_441 = arith.constant 32 : i32
        %add3A_442 = arith.addi %mul3A_426, %add3A_441 : i32
        %get3A_443 = arith.index_cast %add3A_442 : i32 to index
        %get3A_444 = tpu.vector_load %arg15[%get3A_443] {strides = array<i32>} : memref<16384xf32, #tpu.memory_space<vmem>>, vector<16xf32>,
        %add3A_445 = arith.addf %get3A_444, %cond3A_424#4 : vector<16xf32>
        %add3A_446 = arith.constant 32 : i32
        %add3A_447 = arith.addi %mul3A_426, %add3A_446 : i32
        %swap3A_448 = arith.index_cast %add3A_447 : i32 to index
        %swap3A_449 = tpu.vector_load %arg16[%swap3A_448] {strides = array<i32>} : memref<16384xf32, #tpu.memory_space<vmem>>, vector<16xf32>,
        tpu.vector_store %arg16[%swap3A_448], %add3A_445 {strides = array<i32>} : memref<16384xf32, #tpu.memory_space<vmem>>, vector<16xf32>,
        %add3A_450 = arith.constant 48 : i32
        %add3A_451 = arith.addi %mul3A_426, %add3A_450 : i32
        %get3A_452 = arith.index_cast %add3A_451 : i32 to index
        %get3A_453 = tpu.vector_load %arg15[%get3A_452] {strides = array<i32>} : memref<16384xf32, #tpu.memory_space<vmem>>, vector<16xf32>,
        %add3A_454 = arith.addf %get3A_453, %cond3A_424#5 : vector<16xf32>
        %add3A_455 = arith.constant 48 : i32
        %add3A_456 = arith.addi %mul3A_426, %add3A_455 : i32
        %swap3A_457 = arith.index_cast %add3A_456 : i32 to index
        %swap3A_458 = tpu.vector_load %arg16[%swap3A_457] {strides = array<i32>} : memref<16384xf32, #tpu.memory_space<vmem>>, vector<16xf32>,
        tpu.vector_store %arg16[%swap3A_457], %add3A_454 {strides = array<i32>} : memref<16384xf32, #tpu.memory_space<vmem>>, vector<16xf32>,
        scf.yield %select_n3A, %cond3A_424#0, %cond3A_424#1, %squeeze3A_415 : i32, i32, i32, i32
      }
      %scan3A_57 = arith.constant 256 : i32
      %mul3A_58 = arith.constant 256 : i32
      %mul3A_59 = arith.muli %scan3A_42, %mul3A_58 : i32
      %add3A_60 = arith.constant 0 : i32
      %add3A_61 = arith.addi %mul3A_59, %add3A_60 : i32
      %get3A_62 = arith.index_cast %add3A_61 : i32 to index
      %get3A_63 = tpu.vector_load %arg9[%get3A_62] {strides = array<i32>} : memref<1040xi32, #tpu.memory_space<vmem>>, vector<16xi32>,
      %mul3A_64 = arith.constant 256 : i32
      %mul3A_65 = arith.muli %scan3A_42, %mul3A_64 : i32
      %add3A_66 = arith.constant 0 : i32
      %add3A_67 = arith.addi %mul3A_65, %add3A_66 : i32
      %add3A_68 = arith.constant 1 : i32
      %add3A_69 = arith.addi %add3A_67, %add3A_68 : i32
      %get3A_70 = arith.index_cast %add3A_69 : i32 to index
      %get3A_71 = tpu.vector_load %arg9[%get3A_70] {strides = array<i32>} : memref<1040xi32, #tpu.memory_space<vmem>>, vector<16xi32>,
      %gt3A_72 = arith.cmpi sgt, %get3A_71, %get3A_63 : vector<16xi32>
      %convert_element_type3A_73 = arith.extui %gt3A_72 : vector<16xi1> to vector<16xi32>
      %swap3A = arith.constant 0 : index
      %swap3A_74 = tpu.vector_load %arg17[%swap3A] {strides = array<i32>} : memref<256xi32, #tpu.memory_space<vmem>>, vector<16xi32>,
      tpu.vector_store %arg17[%swap3A], %convert_element_type3A_73 {strides = array<i32>} : memref<256xi32, #tpu.memory_space<vmem>>, vector<16xi32>,
      %mul3A_75 = arith.constant 256 : i32
      %mul3A_76 = arith.muli %scan3A_42, %mul3A_75 : i32
      %add3A_77 = arith.constant 16 : i32
      %add3A_78 = arith.addi %mul3A_76, %add3A_77 : i32
      %get3A_79 = arith.index_cast %add3A_78 : i32 to index
      %get3A_80 = tpu.vector_load %arg9[%get3A_79] {strides = array<i32>} : memref<1040xi32, #tpu.memory_space<vmem>>, vector<16xi32>,
      %mul3A_81 = arith.constant 256 : i32
      %mul3A_82 = arith.muli %scan3A_42, %mul3A_81 : i32
      %add3A_83 = arith.constant 16 : i32
      %add3A_84 = arith.addi %mul3A_82, %add3A_83 : i32
      %add3A_85 = arith.constant 1 : i32
      %add3A_86 = arith.addi %add3A_84, %add3A_85 : i32
      %get3A_87 = arith.index_cast %add3A_86 : i32 to index
      %get3A_88 = tpu.vector_load %arg9[%get3A_87] {strides = array<i32>} : memref<1040xi32, #tpu.memory_space<vmem>>, vector<16xi32>,
      %gt3A_89 = arith.cmpi sgt, %get3A_88, %get3A_80 : vector<16xi32>
      %convert_element_type3A_90 = arith.extui %gt3A_89 : vector<16xi1> to vector<16xi32>
      %swap3A_91 = arith.constant 16 : index
      %swap3A_92 = tpu.vector_load %arg17[%swap3A_91] {strides = array<i32>} : memref<256xi32, #tpu.memory_space<vmem>>, vector<16xi32>,
      tpu.vector_store %arg17[%swap3A_91], %convert_element_type3A_90 {strides = array<i32>} : memref<256xi32, #tpu.memory_space<vmem>>, vector<16xi32>,
      %mul3A_93 = arith.constant 256 : i32
      %mul3A_94 = arith.muli %scan3A_42, %mul3A_93 : i32
      %add3A_95 = arith.constant 32 : i32
      %add3A_96 = arith.addi %mul3A_94, %add3A_95 : i32
      %get3A_97 = arith.index_cast %add3A_96 : i32 to index
      %get3A_98 = tpu.vector_load %arg9[%get3A_97] {strides = array<i32>} : memref<1040xi32, #tpu.memory_space<vmem>>, vector<16xi32>,
      %mul3A_99 = arith.constant 256 : i32
      %mul3A_100 = arith.muli %scan3A_42, %mul3A_99 : i32
      %add3A_101 = arith.constant 32 : i32
      %add3A_102 = arith.addi %mul3A_100, %add3A_101 : i32
      %add3A_103 = arith.constant 1 : i32
      %add3A_104 = arith.addi %add3A_102, %add3A_103 : i32
      %get3A_105 = arith.index_cast %add3A_104 : i32 to index
      %get3A_106 = tpu.vector_load %arg9[%get3A_105] {strides = array<i32>} : memref<1040xi32, #tpu.memory_space<vmem>>, vector<16xi32>,
      %gt3A_107 = arith.cmpi sgt, %get3A_106, %get3A_98 : vector<16xi32>
      %convert_element_type3A_108 = arith.extui %gt3A_107 : vector<16xi1> to vector<16xi32>
      %swap3A_109 = arith.constant 32 : index
      %swap3A_110 = tpu.vector_load %arg17[%swap3A_109] {strides = array<i32>} : memref<256xi32, #tpu.memory_space<vmem>>, vector<16xi32>,
      tpu.vector_store %arg17[%swap3A_109], %convert_element_type3A_108 {strides = array<i32>} : memref<256xi32, #tpu.memory_space<vmem>>, vector<16xi32>,
      %mul3A_111 = arith.constant 256 : i32
      %mul3A_112 = arith.muli %scan3A_42, %mul3A_111 : i32
      %add3A_113 = arith.constant 48 : i32
      %add3A_114 = arith.addi %mul3A_112, %add3A_113 : i32
      %get3A_115 = arith.index_cast %add3A_114 : i32 to index
      %get3A_116 = tpu.vector_load %arg9[%get3A_115] {strides = array<i32>} : memref<1040xi32, #tpu.memory_space<vmem>>, vector<16xi32>,
      %mul3A_117 = arith.constant 256 : i32
      %mul3A_118 = arith.muli %scan3A_42, %mul3A_117 : i32
      %add3A_119 = arith.constant 48 : i32
      %add3A_120 = arith.addi %mul3A_118, %add3A_119 : i32
      %add3A_121 = arith.constant 1 : i32
      %add3A_122 = arith.addi %add3A_120, %add3A_121 : i32
      %get3A_123 = arith.index_cast %add3A_122 : i32 to index
      %get3A_124 = tpu.vector_load %arg9[%get3A_123] {strides = array<i32>} : memref<1040xi32, #tpu.memory_space<vmem>>, vector<16xi32>,
      %gt3A_125 = arith.cmpi sgt, %get3A_124, %get3A_116 : vector<16xi32>
      %convert_element_type3A_126 = arith.extui %gt3A_125 : vector<16xi1> to vector<16xi32>
      %swap3A_127 = arith.constant 48 : index
      %swap3A_128 = tpu.vector_load %arg17[%swap3A_127] {strides = array<i32>} : memref<256xi32, #tpu.memory_space<vmem>>, vector<16xi32>,
      tpu.vector_store %arg17[%swap3A_127], %convert_element_type3A_126 {strides = array<i32>} : memref<256xi32, #tpu.memory_space<vmem>>, vector<16xi32>,
      %mul3A_129 = arith.constant 256 : i32
      %mul3A_130 = arith.muli %scan3A_42, %mul3A_129 : i32
      %add3A_131 = arith.constant 64 : i32
      %add3A_132 = arith.addi %mul3A_130, %add3A_131 : i32
      %get3A_133 = arith.index_cast %add3A_132 : i32 to index
      %get3A_134 = tpu.vector_load %arg9[%get3A_133] {strides = array<i32>} : memref<1040xi32, #tpu.memory_space<vmem>>, vector<16xi32>,
      %mul3A_135 = arith.constant 256 : i32
      %mul3A_136 = arith.muli %scan3A_42, %mul3A_135 : i32
      %add3A_137 = arith.constant 64 : i32
      %add3A_138 = arith.addi %mul3A_136, %add3A_137 : i32
      %add3A_139 = arith.constant 1 : i32
      %add3A_140 = arith.addi %add3A_138, %add3A_139 : i32
      %get3A_141 = arith.index_cast %add3A_140 : i32 to index
      %get3A_142 = tpu.vector_load %arg9[%get3A_141] {strides = array<i32>} : memref<1040xi32, #tpu.memory_space<vmem>>, vector<16xi32>,
      %gt3A_143 = arith.cmpi sgt, %get3A_142, %get3A_134 : vector<16xi32>
      %convert_element_type3A_144 = arith.extui %gt3A_143 : vector<16xi1> to vector<16xi32>
      %swap3A_145 = arith.constant 64 : index
      %swap3A_146 = tpu.vector_load %arg17[%swap3A_145] {strides = array<i32>} : memref<256xi32, #tpu.memory_space<vmem>>, vector<16xi32>,
      tpu.vector_store %arg17[%swap3A_145], %convert_element_type3A_144 {strides = array<i32>} : memref<256xi32, #tpu.memory_space<vmem>>, vector<16xi32>,
      %mul3A_147 = arith.constant 256 : i32
      %mul3A_148 = arith.muli %scan3A_42, %mul3A_147 : i32
      %add3A_149 = arith.constant 80 : i32
      %add3A_150 = arith.addi %mul3A_148, %add3A_149 : i32
      %get3A_151 = arith.index_cast %add3A_150 : i32 to index
      %get3A_152 = tpu.vector_load %arg9[%get3A_151] {strides = array<i32>} : memref<1040xi32, #tpu.memory_space<vmem>>, vector<16xi32>,
      %mul3A_153 = arith.constant 256 : i32
      %mul3A_154 = arith.muli %scan3A_42, %mul3A_153 : i32
      %add3A_155 = arith.constant 80 : i32
      %add3A_156 = arith.addi %mul3A_154, %add3A_155 : i32
      %add3A_157 = arith.constant 1 : i32
      %add3A_158 = arith.addi %add3A_156, %add3A_157 : i32
      %get3A_159 = arith.index_cast %add3A_158 : i32 to index
      %get3A_160 = tpu.vector_load %arg9[%get3A_159] {strides = array<i32>} : memref<1040xi32, #tpu.memory_space<vmem>>, vector<16xi32>,
      %gt3A_161 = arith.cmpi sgt, %get3A_160, %get3A_152 : vector<16xi32>
      %convert_element_type3A_162 = arith.extui %gt3A_161 : vector<16xi1> to vector<16xi32>
      %swap3A_163 = arith.constant 80 : index
      %swap3A_164 = tpu.vector_load %arg17[%swap3A_163] {strides = array<i32>} : memref<256xi32, #tpu.memory_space<vmem>>, vector<16xi32>,
      tpu.vector_store %arg17[%swap3A_163], %convert_element_type3A_162 {strides = array<i32>} : memref<256xi32, #tpu.memory_space<vmem>>, vector<16xi32>,
      %mul3A_165 = arith.constant 256 : i32
      %mul3A_166 = arith.muli %scan3A_42, %mul3A_165 : i32
      %add3A_167 = arith.constant 96 : i32
      %add3A_168 = arith.addi %mul3A_166, %add3A_167 : i32
      %get3A_169 = arith.index_cast %add3A_168 : i32 to index
      %get3A_170 = tpu.vector_load %arg9[%get3A_169] {strides = array<i32>} : memref<1040xi32, #tpu.memory_space<vmem>>, vector<16xi32>,
      %mul3A_171 = arith.constant 256 : i32
      %mul3A_172 = arith.muli %scan3A_42, %mul3A_171 : i32
      %add3A_173 = arith.constant 96 : i32
      %add3A_174 = arith.addi %mul3A_172, %add3A_173 : i32
      %add3A_175 = arith.constant 1 : i32
      %add3A_176 = arith.addi %add3A_174, %add3A_175 : i32
      %get3A_177 = arith.index_cast %add3A_176 : i32 to index
      %get3A_178 = tpu.vector_load %arg9[%get3A_177] {strides = array<i32>} : memref<1040xi32, #tpu.memory_space<vmem>>, vector<16xi32>,
      %gt3A_179 = arith.cmpi sgt, %get3A_178, %get3A_170 : vector<16xi32>
      %convert_element_type3A_180 = arith.extui %gt3A_179 : vector<16xi1> to vector<16xi32>
      %swap3A_181 = arith.constant 96 : index
      %swap3A_182 = tpu.vector_load %arg17[%swap3A_181] {strides = array<i32>} : memref<256xi32, #tpu.memory_space<vmem>>, vector<16xi32>,
      tpu.vector_store %arg17[%swap3A_181], %convert_element_type3A_180 {strides = array<i32>} : memref<256xi32, #tpu.memory_space<vmem>>, vector<16xi32>,
      %mul3A_183 = arith.constant 256 : i32
      %mul3A_184 = arith.muli %scan3A_42, %mul3A_183 : i32
      %add3A_185 = arith.constant 112 : i32
      %add3A_186 = arith.addi %mul3A_184, %add3A_185 : i32
      %get3A_187 = arith.index_cast %add3A_186 : i32 to index
      %get3A_188 = tpu.vector_load %arg9[%get3A_187] {strides = array<i32>} : memref<1040xi32, #tpu.memory_space<vmem>>, vector<16xi32>,
      %mul3A_189 = arith.constant 256 : i32
      %mul3A_190 = arith.muli %scan3A_42, %mul3A_189 : i32
      %add3A_191 = arith.constant 112 : i32
      %add3A_192 = arith.addi %mul3A_190, %add3A_191 : i32
      %add3A_193 = arith.constant 1 : i32
      %add3A_194 = arith.addi %add3A_192, %add3A_193 : i32
      %get3A_195 = arith.index_cast %add3A_194 : i32 to index
      %get3A_196 = tpu.vector_load %arg9[%get3A_195] {strides = array<i32>} : memref<1040xi32, #tpu.memory_space<vmem>>, vector<16xi32>,
      %gt3A_197 = arith.cmpi sgt, %get3A_196, %get3A_188 : vector<16xi32>
      %convert_element_type3A_198 = arith.extui %gt3A_197 : vector<16xi1> to vector<16xi32>
      %swap3A_199 = arith.constant 112 : index
      %swap3A_200 = tpu.vector_load %arg17[%swap3A_199] {strides = array<i32>} : memref<256xi32, #tpu.memory_space<vmem>>, vector<16xi32>,
      tpu.vector_store %arg17[%swap3A_199], %convert_element_type3A_198 {strides = array<i32>} : memref<256xi32, #tpu.memory_space<vmem>>, vector<16xi32>,
      %mul3A_201 = arith.constant 256 : i32
      %mul3A_202 = arith.muli %scan3A_42, %mul3A_201 : i32
      %add3A_203 = arith.constant 128 : i32
      %add3A_204 = arith.addi %mul3A_202, %add3A_203 : i32
      %get3A_205 = arith.index_cast %add3A_204 : i32 to index
      %get3A_206 = tpu.vector_load %arg9[%get3A_205] {strides = array<i32>} : memref<1040xi32, #tpu.memory_space<vmem>>, vector<16xi32>,
      %mul3A_207 = arith.constant 256 : i32
      %mul3A_208 = arith.muli %scan3A_42, %mul3A_207 : i32
      %add3A_209 = arith.constant 128 : i32
      %add3A_210 = arith.addi %mul3A_208, %add3A_209 : i32
      %add3A_211 = arith.constant 1 : i32
      %add3A_212 = arith.addi %add3A_210, %add3A_211 : i32
      %get3A_213 = arith.index_cast %add3A_212 : i32 to index
      %get3A_214 = tpu.vector_load %arg9[%get3A_213] {strides = array<i32>} : memref<1040xi32, #tpu.memory_space<vmem>>, vector<16xi32>,
      %gt3A_215 = arith.cmpi sgt, %get3A_214, %get3A_206 : vector<16xi32>
      %convert_element_type3A_216 = arith.extui %gt3A_215 : vector<16xi1> to vector<16xi32>
      %swap3A_217 = arith.constant 128 : index
      %swap3A_218 = tpu.vector_load %arg17[%swap3A_217] {strides = array<i32>} : memref<256xi32, #tpu.memory_space<vmem>>, vector<16xi32>,
      tpu.vector_store %arg17[%swap3A_217], %convert_element_type3A_216 {strides = array<i32>} : memref<256xi32, #tpu.memory_space<vmem>>, vector<16xi32>,
      %mul3A_219 = arith.constant 256 : i32
      %mul3A_220 = arith.muli %scan3A_42, %mul3A_219 : i32
      %add3A_221 = arith.constant 144 : i32
      %add3A_222 = arith.addi %mul3A_220, %add3A_221 : i32
      %get3A_223 = arith.index_cast %add3A_222 : i32 to index
      %get3A_224 = tpu.vector_load %arg9[%get3A_223] {strides = array<i32>} : memref<1040xi32, #tpu.memory_space<vmem>>, vector<16xi32>,
      %mul3A_225 = arith.constant 256 : i32
      %mul3A_226 = arith.muli %scan3A_42, %mul3A_225 : i32
      %add3A_227 = arith.constant 144 : i32
      %add3A_228 = arith.addi %mul3A_226, %add3A_227 : i32
      %add3A_229 = arith.constant 1 : i32
      %add3A_230 = arith.addi %add3A_228, %add3A_229 : i32
      %get3A_231 = arith.index_cast %add3A_230 : i32 to index
      %get3A_232 = tpu.vector_load %arg9[%get3A_231] {strides = array<i32>} : memref<1040xi32, #tpu.memory_space<vmem>>, vector<16xi32>,
      %gt3A_233 = arith.cmpi sgt, %get3A_232, %get3A_224 : vector<16xi32>
      %convert_element_type3A_234 = arith.extui %gt3A_233 : vector<16xi1> to vector<16xi32>
      %swap3A_235 = arith.constant 144 : index
      %swap3A_236 = tpu.vector_load %arg17[%swap3A_235] {strides = array<i32>} : memref<256xi32, #tpu.memory_space<vmem>>, vector<16xi32>,
      tpu.vector_store %arg17[%swap3A_235], %convert_element_type3A_234 {strides = array<i32>} : memref<256xi32, #tpu.memory_space<vmem>>, vector<16xi32>,
      %mul3A_237 = arith.constant 256 : i32
      %mul3A_238 = arith.muli %scan3A_42, %mul3A_237 : i32
      %add3A_239 = arith.constant 160 : i32
      %add3A_240 = arith.addi %mul3A_238, %add3A_239 : i32
      %get3A_241 = arith.index_cast %add3A_240 : i32 to index
      %get3A_242 = tpu.vector_load %arg9[%get3A_241] {strides = array<i32>} : memref<1040xi32, #tpu.memory_space<vmem>>, vector<16xi32>,
      %mul3A_243 = arith.constant 256 : i32
      %mul3A_244 = arith.muli %scan3A_42, %mul3A_243 : i32
      %add3A_245 = arith.constant 160 : i32
      %add3A_246 = arith.addi %mul3A_244, %add3A_245 : i32
      %add3A_247 = arith.constant 1 : i32
      %add3A_248 = arith.addi %add3A_246, %add3A_247 : i32
      %get3A_249 = arith.index_cast %add3A_248 : i32 to index
      %get3A_250 = tpu.vector_load %arg9[%get3A_249] {strides = array<i32>} : memref<1040xi32, #tpu.memory_space<vmem>>, vector<16xi32>,
      %gt3A_251 = arith.cmpi sgt, %get3A_250, %get3A_242 : vector<16xi32>
      %convert_element_type3A_252 = arith.extui %gt3A_251 : vector<16xi1> to vector<16xi32>
      %swap3A_253 = arith.constant 160 : index
      %swap3A_254 = tpu.vector_load %arg17[%swap3A_253] {strides = array<i32>} : memref<256xi32, #tpu.memory_space<vmem>>, vector<16xi32>,
      tpu.vector_store %arg17[%swap3A_253], %convert_element_type3A_252 {strides = array<i32>} : memref<256xi32, #tpu.memory_space<vmem>>, vector<16xi32>,
      %mul3A_255 = arith.constant 256 : i32
      %mul3A_256 = arith.muli %scan3A_42, %mul3A_255 : i32
      %add3A_257 = arith.constant 176 : i32
      %add3A_258 = arith.addi %mul3A_256, %add3A_257 : i32
      %get3A_259 = arith.index_cast %add3A_258 : i32 to index
      %get3A_260 = tpu.vector_load %arg9[%get3A_259] {strides = array<i32>} : memref<1040xi32, #tpu.memory_space<vmem>>, vector<16xi32>,
      %mul3A_261 = arith.constant 256 : i32
      %mul3A_262 = arith.muli %scan3A_42, %mul3A_261 : i32
      %add3A_263 = arith.constant 176 : i32
      %add3A_264 = arith.addi %mul3A_262, %add3A_263 : i32
      %add3A_265 = arith.constant 1 : i32
      %add3A_266 = arith.addi %add3A_264, %add3A_265 : i32
      %get3A_267 = arith.index_cast %add3A_266 : i32 to index
      %get3A_268 = tpu.vector_load %arg9[%get3A_267] {strides = array<i32>} : memref<1040xi32, #tpu.memory_space<vmem>>, vector<16xi32>,
      %gt3A_269 = arith.cmpi sgt, %get3A_268, %get3A_260 : vector<16xi32>
      %convert_element_type3A_270 = arith.extui %gt3A_269 : vector<16xi1> to vector<16xi32>
      %swap3A_271 = arith.constant 176 : index
      %swap3A_272 = tpu.vector_load %arg17[%swap3A_271] {strides = array<i32>} : memref<256xi32, #tpu.memory_space<vmem>>, vector<16xi32>,
      tpu.vector_store %arg17[%swap3A_271], %convert_element_type3A_270 {strides = array<i32>} : memref<256xi32, #tpu.memory_space<vmem>>, vector<16xi32>,
      %mul3A_273 = arith.constant 256 : i32
      %mul3A_274 = arith.muli %scan3A_42, %mul3A_273 : i32
      %add3A_275 = arith.constant 192 : i32
      %add3A_276 = arith.addi %mul3A_274, %add3A_275 : i32
      %get3A_277 = arith.index_cast %add3A_276 : i32 to index
      %get3A_278 = tpu.vector_load %arg9[%get3A_277] {strides = array<i32>} : memref<1040xi32, #tpu.memory_space<vmem>>, vector<16xi32>,
      %mul3A_279 = arith.constant 256 : i32
      %mul3A_280 = arith.muli %scan3A_42, %mul3A_279 : i32
      %add3A_281 = arith.constant 192 : i32
      %add3A_282 = arith.addi %mul3A_280, %add3A_281 : i32
      %add3A_283 = arith.constant 1 : i32
      %add3A_284 = arith.addi %add3A_282, %add3A_283 : i32
      %get3A_285 = arith.index_cast %add3A_284 : i32 to index
      %get3A_286 = tpu.vector_load %arg9[%get3A_285] {strides = array<i32>} : memref<1040xi32, #tpu.memory_space<vmem>>, vector<16xi32>,
      %gt3A_287 = arith.cmpi sgt, %get3A_286, %get3A_278 : vector<16xi32>
      %convert_element_type3A_288 = arith.extui %gt3A_287 : vector<16xi1> to vector<16xi32>
      %swap3A_289 = arith.constant 192 : index
      %swap3A_290 = tpu.vector_load %arg17[%swap3A_289] {strides = array<i32>} : memref<256xi32, #tpu.memory_space<vmem>>, vector<16xi32>,
      tpu.vector_store %arg17[%swap3A_289], %convert_element_type3A_288 {strides = array<i32>} : memref<256xi32, #tpu.memory_space<vmem>>, vector<16xi32>,
      %mul3A_291 = arith.constant 256 : i32
      %mul3A_292 = arith.muli %scan3A_42, %mul3A_291 : i32
      %add3A_293 = arith.constant 208 : i32
      %add3A_294 = arith.addi %mul3A_292, %add3A_293 : i32
      %get3A_295 = arith.index_cast %add3A_294 : i32 to index
      %get3A_296 = tpu.vector_load %arg9[%get3A_295] {strides = array<i32>} : memref<1040xi32, #tpu.memory_space<vmem>>, vector<16xi32>,
      %mul3A_297 = arith.constant 256 : i32
      %mul3A_298 = arith.muli %scan3A_42, %mul3A_297 : i32
      %add3A_299 = arith.constant 208 : i32
      %add3A_300 = arith.addi %mul3A_298, %add3A_299 : i32
      %add3A_301 = arith.constant 1 : i32
      %add3A_302 = arith.addi %add3A_300, %add3A_301 : i32
      %get3A_303 = arith.index_cast %add3A_302 : i32 to index
      %get3A_304 = tpu.vector_load %arg9[%get3A_303] {strides = array<i32>} : memref<1040xi32, #tpu.memory_space<vmem>>, vector<16xi32>,
      %gt3A_305 = arith.cmpi sgt, %get3A_304, %get3A_296 : vector<16xi32>
      %convert_element_type3A_306 = arith.extui %gt3A_305 : vector<16xi1> to vector<16xi32>
      %swap3A_307 = arith.constant 208 : index
      %swap3A_308 = tpu.vector_load %arg17[%swap3A_307] {strides = array<i32>} : memref<256xi32, #tpu.memory_space<vmem>>, vector<16xi32>,
      tpu.vector_store %arg17[%swap3A_307], %convert_element_type3A_306 {strides = array<i32>} : memref<256xi32, #tpu.memory_space<vmem>>, vector<16xi32>,
      %mul3A_309 = arith.constant 256 : i32
      %mul3A_310 = arith.muli %scan3A_42, %mul3A_309 : i32
      %add3A_311 = arith.constant 224 : i32
      %add3A_312 = arith.addi %mul3A_310, %add3A_311 : i32
      %get3A_313 = arith.index_cast %add3A_312 : i32 to index
      %get3A_314 = tpu.vector_load %arg9[%get3A_313] {strides = array<i32>} : memref<1040xi32, #tpu.memory_space<vmem>>, vector<16xi32>,
      %mul3A_315 = arith.constant 256 : i32
      %mul3A_316 = arith.muli %scan3A_42, %mul3A_315 : i32
      %add3A_317 = arith.constant 224 : i32
      %add3A_318 = arith.addi %mul3A_316, %add3A_317 : i32
      %add3A_319 = arith.constant 1 : i32
      %add3A_320 = arith.addi %add3A_318, %add3A_319 : i32
      %get3A_321 = arith.index_cast %add3A_320 : i32 to index
      %get3A_322 = tpu.vector_load %arg9[%get3A_321] {strides = array<i32>} : memref<1040xi32, #tpu.memory_space<vmem>>, vector<16xi32>,
      %gt3A_323 = arith.cmpi sgt, %get3A_322, %get3A_314 : vector<16xi32>
      %convert_element_type3A_324 = arith.extui %gt3A_323 : vector<16xi1> to vector<16xi32>
      %swap3A_325 = arith.constant 224 : index
      %swap3A_326 = tpu.vector_load %arg17[%swap3A_325] {strides = array<i32>} : memref<256xi32, #tpu.memory_space<vmem>>, vector<16xi32>,
      tpu.vector_store %arg17[%swap3A_325], %convert_element_type3A_324 {strides = array<i32>} : memref<256xi32, #tpu.memory_space<vmem>>, vector<16xi32>,
      %mul3A_327 = arith.constant 256 : i32
      %mul3A_328 = arith.muli %scan3A_42, %mul3A_327 : i32
      %add3A_329 = arith.constant 240 : i32
      %add3A_330 = arith.addi %mul3A_328, %add3A_329 : i32
      %get3A_331 = arith.index_cast %add3A_330 : i32 to index
      %get3A_332 = tpu.vector_load %arg9[%get3A_331] {strides = array<i32>} : memref<1040xi32, #tpu.memory_space<vmem>>, vector<16xi32>,
      %mul3A_333 = arith.constant 256 : i32
      %mul3A_334 = arith.muli %scan3A_42, %mul3A_333 : i32
      %add3A_335 = arith.constant 240 : i32
      %add3A_336 = arith.addi %mul3A_334, %add3A_335 : i32
      %add3A_337 = arith.constant 1 : i32
      %add3A_338 = arith.addi %add3A_336, %add3A_337 : i32
      %get3A_339 = arith.index_cast %add3A_338 : i32 to index
      %get3A_340 = tpu.vector_load %arg9[%get3A_339] {strides = array<i32>} : memref<1040xi32, #tpu.memory_space<vmem>>, vector<16xi32>,
      %gt3A_341 = arith.cmpi sgt, %get3A_340, %get3A_332 : vector<16xi32>
      %convert_element_type3A_342 = arith.extui %gt3A_341 : vector<16xi1> to vector<16xi32>
      %swap3A_343 = arith.constant 240 : index
      %swap3A_344 = tpu.vector_load %arg17[%swap3A_343] {strides = array<i32>} : memref<256xi32, #tpu.memory_space<vmem>>, vector<16xi32>,
      tpu.vector_store %arg17[%swap3A_343], %convert_element_type3A_342 {strides = array<i32>} : memref<256xi32, #tpu.memory_space<vmem>>, vector<16xi32>,
      %mul3A_345 = arith.constant 256 : i32
      %mul3A_346 = arith.muli %scan3A_42, %mul3A_345 : i32
      %add3A_347 = arith.addi %mul3A_2, %mul3A_346 : i32
      %mul3A_348 = arith.constant 64 : i32
      %mul3A_349 = arith.muli %add3A_347, %mul3A_348 : i32
      "tpu.region"() ({
        %run_scoped3A = tpu.sem_alloc : memref<!tpu.dma_semaphore, #tpu.memory_space<semaphore_mem>>
        %dma_start3A = tpu.memref_slice %arg7[%mul3A_349] : memref<2097152xf32, #tpu.memory_space<hbm>> -> memref<16384xf32, #tpu.memory_space<hbm>>
        %dma_start3A_353 = tpu.memref_slice %arg7[%mul3A_349] : memref<2097152xf32, #tpu.memory_space<hbm>> -> memref<16384xf32, #tpu.memory_space<hbm>>
        tpu.enqueue_dma source(%arg16 : memref<16384xf32, #tpu.memory_space<vmem>>) target(%dma_start3A_353 : memref<16384xf32, #tpu.memory_space<hbm>>) target_semaphore(%run_scoped3A : memref<!tpu.dma_semaphore, #tpu.memory_space<semaphore_mem>>)
        %dma_wait3A = tpu.memref_slice %arg7[%mul3A_349] : memref<2097152xf32, #tpu.memory_space<hbm>> -> memref<16384xf32, #tpu.memory_space<hbm>>
        %dma_wait3A_354 = tpu.memref_slice %arg7[%mul3A_349] : memref<2097152xf32, #tpu.memory_space<hbm>> -> memref<16384xf32, #tpu.memory_space<hbm>>
        tpu.wait_dma2 semaphore(%run_scoped3A : memref<!tpu.dma_semaphore, #tpu.memory_space<semaphore_mem>>) src(%arg16 : memref<16384xf32, #tpu.memory_space<vmem>>) dst(%dma_wait3A_354 : memref<16384xf32, #tpu.memory_space<hbm>>)
        tpu.yield
      }) : () -> ()
      %mul3A_350 = arith.constant 256 : i32
      %mul3A_351 = arith.muli %scan3A_42, %mul3A_350 : i32
      %add3A_352 = arith.addi %mul3A_2, %mul3A_351 : i32
      "tpu.region"() ({
        %run_scoped3A = tpu.sem_alloc : memref<!tpu.dma_semaphore, #tpu.memory_space<semaphore_mem>>
        %dma_start3A = tpu.memref_slice %arg8[%add3A_352] : memref<32768xi32, #tpu.memory_space<hbm>> -> memref<256xi32, #tpu.memory_space<hbm>>
        %dma_start3A_353 = tpu.memref_slice %arg8[%add3A_352] : memref<32768xi32, #tpu.memory_space<hbm>> -> memref<256xi32, #tpu.memory_space<hbm>>
        tpu.enqueue_dma source(%arg17 : memref<256xi32, #tpu.memory_space<vmem>>) target(%dma_start3A_353 : memref<256xi32, #tpu.memory_space<hbm>>) target_semaphore(%run_scoped3A : memref<!tpu.dma_semaphore, #tpu.memory_space<semaphore_mem>>)
        %dma_wait3A = tpu.memref_slice %arg8[%add3A_352] : memref<32768xi32, #tpu.memory_space<hbm>> -> memref<256xi32, #tpu.memory_space<hbm>>
        %dma_wait3A_354 = tpu.memref_slice %arg8[%add3A_352] : memref<32768xi32, #tpu.memory_space<hbm>> -> memref<256xi32, #tpu.memory_space<hbm>>
        tpu.wait_dma2 semaphore(%run_scoped3A : memref<!tpu.dma_semaphore, #tpu.memory_space<semaphore_mem>>) src(%arg17 : memref<256xi32, #tpu.memory_space<vmem>>) dst(%dma_wait3A_354 : memref<256xi32, #tpu.memory_space<hbm>>)
        tpu.yield
      }) : () -> ()
      scf.yield %scan3A_56#0, %scan3A_56#1, %scan3A_56#2, %scan3A_56#3 : i32, i32, i32, i32
    }
    %scan3A_41 = arith.constant 4 : i32
    return
  }
}

</mosaic_0001>

<sc_bundles>
// kernel: kernel.3.cloned.1.call-start
scs
__scs_entry_jumppad:
0x0: {  	(pc) =	sbr.rel $0x88, $3  }
0x1: {  	(tag) =	ssettag $0x0;
	lr =	simm.s32 $0x1  }
0x2: {  	[smem:$0x3F9C] =	sst lr;
	_ =	strace $0xD0000000  }
0x3: {  	_ = 	snop  }
0x4: {  	_ = 	snop  }
0x5: {  	_ = 	snop  }
0x6: {  	_ = 	snop  }
0x7: {  	_ = 	snop  }
__scs_overlays_trampoline_lowered:
0x8: {  	[smem:$0x3FAB] =	sst s0  }
0x9: {  	[smem:$0x3FAC] =	sst s1  }
0xa: {  	[smem:$0x3FAD] =	sst s2  }
0xb: {  	[smem:$0x3FAE] =	sst s3  }
0xc: {  	[smem:$0x3FAF] =	sst s4  }
0xd: {  	[smem:$0x3FB0] =	sst s5  }
0xe: {  	[smem:$0x3FB1] =	sst s6  }
0xf: {  	[smem:$0x3FB2] =	sst s7  }
0x10: {  	[smem:$0x3FB3] =	sst s8  }
0x11: {  	[smem:$0x3FB4] =	sst s9;
	s0 =	simm.s32 @!p0 $0x0  }
0x12: {  	s1 =	sld [smem:$0x3F9A];
	s0 =	simm.s32 @p0 $0x1  }
0x13: {  	[smem:$0x3FB5] =	sst s0;
	s0 =	simm.s32 @!p1 $0x0  }
0x14: {  	s2 =	sld [smem:$0x3F99];
	s0 =	simm.s32 @p1 $0x1  }
0x15: {  	[smem:$0x3FB6] =	sst s0;
	s0 =	simm.s32 @!p2 $0x0  }
0x16: {  	s3 =	sld [smem:$0x3FDB];
	s0 =	simm.s32 @p2 $0x1  }
0x17: {  	s4 =	simm.s32 $0x1BF5;
	[smem:$0x3FB8] =	sst s0  }
0x18: {  	s0 =	sld [smem:$0x3F9B];
	_ =	swait.ge [sflag:s4], $0x0  }
0x19: {  	s7 =	sld [smem:$0x3F9C]  }
0x1a: {  	s8 =	sadd.s32 $0xFFFFE003, lr  }
0x1b: {  	s9 =	sadd.s32 $0xFFFFFEF7, lr;
	s5 =	simm.s32 $0xFFFFFFFF;
	p2 =	slt.u32 s8, $0xFFFFF086  }
0x1c: {  	p1 =	slt.u32 s9, $0xF7A;
	s5 =	simm.s32 @!p2 $0x0  }
0x1d: {  	s5 =	simm.s32 @p1 $0x1;
	p0 =	seq.s32 s7, s2  }
0x1e: {  	s7 =	smul.u32 @!p0 $0xF7A, s2;
	p2 =	seq.s32 @!p0 s5, $0x0  }
0x1f: {  	s9 =	smul.u32 $0xF7A, s1;
	s8 =	simm.s32 @!p0 $0x1BF5;
	p2 =	por !p2, p0  }
0x20: {  	[sflag:s8] =	ssyncset.s32 @!p0 $0xFFFFF086;
	s6 =	sadd.s32 @!p0 s3, s7;
	s7 =	simm.s32 @!p0 $0x108  }
0x21: {  	s3 =	sadd.s32 s3, s9;
	s6 =	sadd.s32 @!p0 $0x88, s6;
	s7 =	simm.s32 @p2 $0x1082  }
0x22: {  	[simem:s7], [sflag:s8] =	dma.local @!p0 [hbm:s6], $0xF7A  }
0x23: {  	s9 =	sor.u32 $0xD0000000, s2;
	s6 =	simm.s32 $0x108;
	_ =	swait.ge @!p0 [sflag:s8], $0x0  }
0x24: {  	s3 =	sadd.s32 $0x88, s3;
	s6 =	simm.s32 @!p1 $0x1082;
	[sflag:s4] =	ssyncset.s32 $0xFFFFF086  }
0x25: {  	[simem:s6], [sflag:s4] =	dma.local [hbm:s3], $0xF7A  }
0x26: {  	[smem:$0x3F9C] =	sst s1;
	(tag) =	ssettag s2;
	_ =	strace s9  }
0x27: {  	s1 =	sld [smem:$0x3FAC]  }
0x28: {  	s2 =	sld [smem:$0x3FAD]  }
0x29: {  	s4 =	sld [smem:$0x3FAF]  }
0x2a: {  	p0 =	seq.s32 s5, $0x0;
	s5 =	sld [smem:$0x3FB0]  }
0x2b: {  	s6 =	sld [smem:$0x3FB1]  }
0x2c: {  	s7 =	sld [smem:$0x3FB2]  }
0x2d: {  	s3 =	simm.s32 $0x108;
	s8 =	sld [smem:$0x3FB3]  }
0x2e: {  	s3 =	simm.s32 @!p0 $0x1082;
	s9 =	sld [smem:$0x3FB4]  }
0x2f: {  	lr =	sadd.s32 s0, s3;
	s0 =	sld [smem:$0x3FAB]  }
0x30: {  	s3 =	sld [smem:$0x3FAE]  }
0x31: {  	[smem:$0x3FB7] =	sst s10  }
0x32: {  	s10 =	sld [smem:$0x3FB5];
	_ =	sdelay $0x3  }
0x33: {  	p0 =	seq.s32 s10, $0x1;
	s10 =	sld [smem:$0x3FB7];
	_ =	sdelay $0x3  }
0x34: {  	[smem:$0x3FB7] =	sst s10  }
0x35: {  	s10 =	sld [smem:$0x3FB6];
	_ =	sdelay $0x3  }
0x36: {  	p1 =	seq.s32 s10, $0x1;
	s10 =	sld [smem:$0x3FB7];
	_ =	sdelay $0x3  }
0x37: {  	[smem:$0x3FB7] =	sst s10  }
0x38: {  	s10 =	sld [smem:$0x3FB8]  }
0x39: {  	_ = 	snop;
	(pc) =	sbr.ind lr, $3  }
0x3a: {  	_ = 	snop  }
0x3b: {  	_ = 	snop  }
0x3c: {  	p2 =	seq.s32 s10, $0x1;
	s10 =	sld [smem:$0x3FB7]  }
0x3d: {  	_ =	shalt  }
0x3e: {  	_ =	shalt  }
0x3f: {  	_ =	shalt  }
0x40: {  	_ =	shalt  }
0x41: {  	_ =	shalt  }
0x42: {  	_ =	shalt  }
0x43: {  	_ =	shalt  }
0x44: {  	_ =	shalt  }
0x45: {  	_ =	shalt  }
0x46: {  	_ =	shalt  }
0x47: {  	_ =	shalt  }
0x48: {  	_ =	shalt  }
0x49: {  	_ =	shalt  }
0x4a: {  	_ =	shalt  }
0x4b: {  	_ =	shalt  }
0x4c: {  	_ =	shalt  }
0x4d: {  	_ =	shalt  }
0x4e: {  	_ =	shalt  }
0x4f: {  	_ =	shalt  }
0x50: {  	_ =	shalt  }
0x51: {  	_ =	shalt  }
0x52: {  	_ =	shalt  }
0x53: {  	_ =	shalt  }
0x54: {  	_ =	shalt  }
0x55: {  	_ =	shalt  }
0x56: {  	_ =	shalt  }
0x57: {  	_ =	shalt  }
0x58: {  	_ =	shalt  }
0x59: {  	_ =	shalt  }
0x5a: {  	_ =	shalt  }
0x5b: {  	_ =	shalt  }
0x5c: {  	_ =	shalt  }
0x5d: {  	_ =	shalt  }
0x5e: {  	_ =	shalt  }
0x5f: {  	_ =	shalt  }
0x60: {  	_ =	shalt  }
0x61: {  	_ =	shalt  }
0x62: {  	_ =	shalt  }
0x63: {  	_ =	shalt  }
0x64: {  	_ =	shalt  }
0x65: {  	_ =	shalt  }
0x66: {  	_ =	shalt  }
0x67: {  	_ =	shalt  }
0x68: {  	_ =	shalt  }
0x69: {  	_ =	shalt  }
0x6a: {  	_ =	shalt  }
0x6b: {  	_ =	shalt  }
0x6c: {  	_ =	shalt  }
0x6d: {  	_ =	shalt  }
0x6e: {  	_ =	shalt  }
0x6f: {  	_ =	shalt  }
0x70: {  	_ =	shalt  }
0x71: {  	_ =	shalt  }
0x72: {  	_ =	shalt  }
0x73: {  	_ =	shalt  }
0x74: {  	_ =	shalt  }
0x75: {  	_ =	shalt  }
0x76: {  	_ =	shalt  }
0x77: {  	_ =	shalt  }
0x78: {  	_ =	shalt  }
0x79: {  	_ =	shalt  }
0x7a: {  	_ =	shalt  }
0x7b: {  	_ =	shalt  }
0x7c: {  	_ =	shalt  }
0x7d: {  	_ =	shalt  }
0x7e: {  	_ =	shalt  }
0x7f: {  	_ =	shalt  }
0x80: {  	_ =	shalt  }
0x81: {  	_ =	shalt  }
0x82: {  	_ =	shalt  }
0x83: {  	_ =	shalt  }
0x84: {  	_ =	shalt  }
0x85: {  	_ =	shalt  }
0x86: {  	_ =	shalt  }
0x87: {  	_ =	shalt  }
.Lfunc_end0:
.L_simem_size_0:
called_computation_lowered:
.L_overlay_start_0:
0x88: {  	s2 =	sld [smem:$0x3FD9]  }
0x89: {  	s3 =	sld [smem:$0x3FFE];
	_ =	sdelay $0x1  }
0x8a: {  	s1 =	srdreg.scid  }
0x8b: {  	s0 =	sand.u32 $0x1, s1  }
0x8c: {  	s14 =	sshll.u32 s0, $0xA;
	s2 =	sadd.s32 s3, s2  }
0x8d: {  	s2 =	sadd.s32 s2, s14  }
0x8e: {  	[smem:$0x3FC3] =	sst s2  }
0x8f: {  	_ = 	snop  }
0x90: {  	s2 =	sld [smem:$0x3FD0];
	_ =	sdelay $0x2  }
0x91: {  	s15 =	simm.s32 $0xA;
	s4 =	simm.s32 $0x10  }
0x92: {  	[smem:s4], [sflag:s15] =	dma.local [hbm:s2], $0x1  }
0x93: {  	_ =	swait.eq [sflag:s15], $0x1  }
0x94: {  	[sflag:s15] =	ssyncset.done $0x0  }
0x95: {  	[sflag:s15] =	ssyncadd.s32 $0xFFFFFFFF  }
0x96: {  	s16 =	sld [smem:$0x10];
	(tm) =	ssettm $0x1  }
0x97: {  	s17 =	sld [smem:$0x3FFB];
	_ =	sdelay $0x3  }
0x98: {  	_ =	strace s17  }
0x99: {  	s3 =	sld [smem:$0x3FFC];
	_ =	sdelay $0x3  }
0x9a: {  	_ =	strace s3  }
0x9b: {  	s3 =	sld [smem:$0x3FFD];
	_ =	sdelay $0x3  }
0x9c: {  	_ =	strace s3  }
0x9d: {  	_ =	strace $0x8FFFFFFF  }
0x9e: {  	s18 =	sld [smem:$0x3FDB];
	_ =	sdelay $0x1  }
0x9f: {  	s19 =	simm.s32 $_scs_section_size  }
0xa0: {  	s5 =	simm.s32 $_size__tile_overlayer_lowered;
	s6 =	simm.s32 $_tile_overlayer_lowered  }
0xa1: {  	s22 =	simm.s32 $0x1BFF;
	s21 =	sshll.u32 s6, $0x1;
	s3 =	sadd.s32 s19, s18  }
0xa2: {  	s7 =	simm.s32 $0x0;
	s20 =	sshll.u32 s5, $0x1;
	s5 =	sadd.s32 s21, s3  }
0xa3: {  	[timem:s7], [sflag:s22] =	dma.local [hbm:s5], s20  }
0xa4: {  	_ =	swait.ge [sflag:s22], s20  }
0xa5: {  	s4 =	ssub.s32 $0x0, s20;
	[sflag:s22] =	ssyncset.done $0x0  }
0xa6: {  	[sflag:s22] =	ssyncadd.s32 s4;
	_ =	sdelay $0x1  }
0xa7: {  	s23 =	simm.s32 $0x1B8B  }
0xa8: {  	_ =	swait.ge [sflag:s23], $0x1  }
0xa9: {  	[sflag:s23] =	ssyncset.done $0x0  }
0xaa: {  	s25 =	simm.s32 $0x1B8E;
	s24 =	sld [smem:$0x3FFE];
	[sflag:s23] =	ssyncadd.s32 $0xFFFFFFFF  }
0xab: {  	s26 =	simm.s32 $execute0_lowered;
	[smem:$0x3FD2] =	sst s25  }
0xac: {  	s5 =	sshll.u32 s26, $0x1;
	_ =	strace $0x80000046;
	[dreg:$0x1] =	wrdreg $0xFFFFFFFF  }
0xad: {  	s28 =	simm.s32 $_size_execute0_lowered;
	s3 =	sadd.s32 s3, s5;
	[dreg:$0x0] =	wrdreg $0x0  }
0xae: {  	s5 =	sshll.u32 s28, $0x1;
	[dreg:$0x2] =	wrdreg s3  }
0xaf: {  	[dreg:$0x3] =	wrdreg s5  }
0xb0: {  	[dreg:$0x4] =	wrdreg $0xC0  }
0xb1: {  	_ =	task [dreg:s7], $0x5FFFF  }
0xb2: {  	[dreg:$0x1] =	wrdreg $0xFFFFFFFF  }
0xb3: {  	[dreg:$0x0] =	wrdreg $0x60  }
0xb4: {  	[dreg:$0x2] =	wrdreg s16  }
0xb5: {  	[dreg:$0x3] =	wrdreg s24  }
0xb6: {  	[dreg:$0x4] =	wrdreg $0x9  }
0xb7: {  	_ =	task.clear_ibuf [dreg:s7], $0x5FFFF;
	_ =	strace $0x90000046  }
0xb8: {  	s29 =	simm.s32 $0x9;
	_ =	strace $0x80000048  }
0xb9: {  	_ =	swait.ge [sflag:s29], $0x1  }
0xba: {  	[sflag:s29] =	ssyncadd.s32 $0xFFFFFFFF  }
0xbb: {  	_ =	strace $0x90000048  }
0xbc: {  	_ =	sfence  }
0xbd: {  	s30 =	sld [smem:$0x0];
	_ =	sdelay $0x2  }
0xbe: {  	s31 =	sshll.u32 s1, $0xD;
	s1 =	sshrl.u32 s1, $0x2  }
0xbf: {  	s3 =	sand.u32 $0x4000, s31;
	s1 =	sadd.s32 s1, s30  }
0xc0: {  	s0 =	sor.u32 s3, s0;
	s1 =	sshll.u32 s1, $0x11  }
0xc1: {  	s0 =	sor.u32 s1, s0  }
0xc2: {  	s0 =	sadd.s32 $0x8F2B, s0  }
0xc3: {  	[sflag:s0] =	ssyncadd.remote.s32 $0x1  }
0xc4: {  	_ =	sfence.sel $0xFFFF  }
0xc5: {  	[dreg:$0x0] =	wrdreg $0xFFFFFFFF;
	(pc) =	sbr.abs _section_cstart, $3  }
0xc6: {  	[dreg:$0x1] =	wrdreg $0xFFFFFFFF  }
0xc7: {  	_ =	task.clear_ibuf [dreg:s7], $0x2FFFF;
	_ =	strace $0x9FFFFFFF  }
0xc8: {  	(tm) =	ssettm $0x7FFFFFFF  }
0xc9: {  	_ =	shalt  }
tec
execute0_lowered:
.L_overlay_start_1:
0x0: {  	(tag) =	ssettag $0x1  }
0x1: {  	s0 =	rddreg [dreg:$0x1];
	s1 =	srdreg.scid;
	s3 =	simm.s32 $0x0  }
0x2: {  	s2 =	stileid.u32;
	s1 =	sand.u32 $0x1, s1;
	[smem:$0x7FF] =	sst s3  }
0x3: {  	s2 =	sshll.u32 s2, $0xB;
	s4 =	sadd.s32 $0x201800, s0;
	s6 =	sadd.s32 $0x1800, s0  }
0x4: {  	s7 =	sadd.s32 $0x9A00, s0;
	s29 =	sadd.s32 $0xCE00, s0;
	s9 =	sadd.s32 $0x4CE00, s0  }
0x5: {  	s5 =	sshll.u32 s1, $0xA;
	_ =	strace $0x80000047;
	s1 =	ssub.s32 $0x2, s1  }
.Ltmp0:
0x6: {  	s2 =	sor.u32 s5, s2;
	s10 =	sshrl.u32 s1, $0x1;
	(pc) =	sbr.rel .LBB2_1-.Ltmp0, $4  }
0x7: {  	s8 =	smov.u32 s2;
	s2 =	sshrl.u32 s2, $0x3;
	s30 =	ssub.s32 s1, s10  }
0x8: {  	[dreg:$0x3] =	wrdreg s29;
	s2 =	sadd.s32 s2, s0;
	s0 =	smax.u32 s30, $0x1  }
0x9: {  	s31 =	sadd.s32 $0xBC00, s2;
	[dreg:$0x5] =	wrdreg s0  }
0xa: {  	s12 =	simm.s32 $0x3;
	v0 =	vlaneseq.u32;
	v1 =	vimm.f32 $0.0e+00;
	v2 =	vimm.s32 $0x0;
	s1 =	simm.s32 $0x0;
	[dreg:$0x4] =	wrdreg s31  }
.LBB2_40:
0xb: {  	s1 =	rddreg [dreg:$0x6]  }
0xc: {  	s0 =	rddreg [dreg:$0x5];
	s1 =	sadd.s32 $0x1, s1  }
0xd: {  	p0 =	sne.s32 s1, s0  }
.Ltmp1:
0xe: {  	_ = 	snop;
	(pc) =	sbr.rel @!p0 .LBB2_41-.Ltmp1, $1  }
0xf: {  	_ =	sdelay $0x3  }
.LBB2_1:
0x10: {  	[dreg:$0x6] =	wrdreg s1  }
0x11: {  	s0 =	rddreg [dreg:$0x4]  }
0x12: {  	[tilespmem:s3], [sflag:$0x3] =	stream.linear.gather [hbm4b:s0+s3], $0x410, $0x38;
	[tilespmem:$0x19140] =	vst v63  }
0x13: {  	_ =	swait.ge [sflag:s12], $0x410  }
0x14: {  	[sflag:s12] =	ssyncset.done $0x0  }
0x15: {  	[sflag:s12] =	ssyncadd.s32 $0xFFFFFBF0  }
0x16: {  	v3 =	vld [tilespmem:$0x0];
	_ =	sdelay $0x1  }
0x17: {  	v4 =	vld [tilespmem:$0x400];
	_ =	sdelay $0x2  }
0x18: {  	(v2sf) =	vpush v3, $0x0;
	_ =	sdelay $0x1  }
0x19: {  	(v2sf) =	vpush v4, $0x0;
	_ =	sdelay $0xc  }
0x1a: {  	s26 =	spop (v2sf)  }
0x1b: {  	s28 =	sshrl.u32 s26, $0x3  }
0x1c: {  	s5 =	simm.s32 $0x410;
	s2 =	spop (v2sf);
	s0 =	sadd.s32 s7, s28  }
0x1d: {  	[tilespmem:s5], [sflag:$0x3] =	stream.linear.gather [hbm4b:s0+s3], $0x810, $0x38;
	[tilespmem:$0x19140] =	vst v63  }
0x1e: {  	_ =	swait.ge [sflag:s12], $0x810  }
0x1f: {  	[sflag:s12] =	ssyncset.done $0x0  }
0x20: {  	s30 =	sand.u32 $0x7, s26;
	[sflag:s12] =	ssyncadd.s32 $0xFFFFF7F0  }
0x21: {  	v3 =	vld [tilespmem:s30+$0x410];
	_ =	sdelay $0x4  }
0x22: {  	(v2sf) =	vpush v3, $0x0;
	_ =	sdelay $0xb  }
0x23: {  	s10 =	sshrl.u32 s2, $0x3  }
0x24: {  	s31 =	simm.s32 $0xC20;
	s10 =	sadd.s32 s7, s10  }
0x25: {  	[tilespmem:s31], [sflag:$0x3] =	stream.linear.gather [hbm4b:s10+s3], $0x20, $0x38;
	[tilespmem:$0x19140] =	vst v63  }
0x26: {  	s0 =	spop (v2sf)  }
0x27: {  	_ =	swait.ge [sflag:s12], $0x20  }
0x28: {  	[sflag:s12] =	ssyncset.done $0x0  }
0x29: {  	s2 =	sand.u32 $0x7, s2;
	[sflag:s12] =	ssyncadd.s32 $0xFFFFFFE0  }
0x2a: {  	v3 =	vld [tilespmem:s2+$0xC20];
	_ =	sdelay $0x4  }
0x2b: {  	(v2sf) =	vpush v3, $0x0;
	_ =	sdelay $0xe  }
0x2c: {  	s19 =	spop (v2sf)  }
0x2d: {  	p0 =	sle.s32 s19, s0  }
0x2e: {  	s24 =	simm.s32 $0x200;
	s2 =	sshrl.u32 @!p0 s0, $0x3  }
0x2f: {  	s10 =	simm.s32 @!p0 $0x0;
	s11 =	simm.s32 @!p0 $0xC40;
	s2 =	sadd.s32 @!p0 s6, s2  }
0x30: {  	[tilespmem:s11], [sflag:$0x3] =	stream.linear.gather @!p0 [hbm4b:s2+s10], $0x200, $0x38;
	[tilespmem:$0x19140] =	vst v63  }
.Ltmp2:
0x31: {  	s23 =	simm.s32 $0x0;
	s2 =	simm.s32 @!p0 $0x3;
	(pc) =	sbr.rel .LBB2_2-.Ltmp2, $4  }
0x32: {  	s21 =	sand.u32 $0xFFFFFFF8, s26;
	s20 =	sand.u32 $0xFFFFFFF8, s0;
	_ =	swait.ge @!p0 [sflag:s2], $0x200  }
0x33: {  	s29 =	sadd.s32 $0xFFFFFE00, s20;
	s22 =	sadd.s32 $0x200, s20;
	[sflag:s2] =	ssyncset.done @!p0 $0x0  }
0x34: {  	s10 =	simm.s32 @!p0 $0x1040;
	[sflag:s2] =	ssyncadd.s32 @!p0 $0xFFFFFE00;
	s2 =	simm.s32 @!p0 $0x200  }
0x35: {  	[tilespmem:s10], [sflag:$0x1] =	stream.indirect.gather @!p0 [hbm4b:s4+s2], $0x40, s11, s2, $0xb8;
	[tilespmem:$0x19140] =	vst v63  }
.LBB2_39:
0x36: {  	v3 =	vld [tilespmem:s28+$0x0]  }
0x37: {  	v4 =	vld [tilespmem:s28+$0x1];
	_ =	sdelay $0x4  }
0x38: {  	vm0 =	vgt.s32 v4, v3  }
0x39: {  	v3 =	vsel vm0, $0x1, v2  }
0x3a: {  	[tilespmem:$0x19040] =	vst v3  }
0x3b: {  	v3 =	vld [tilespmem:s28+$0x10]  }
0x3c: {  	v49 =	vld [tilespmem:s28+$0x11];
	_ =	sdelay $0x4  }
0x3d: {  	vm13 =	vgt.s32 v49, v3  }
0x3e: {  	v3 =	vsel vm13, $0x1, v2  }
0x3f: {  	[tilespmem:$0x19050] =	vst v3  }
0x40: {  	v3 =	vld [tilespmem:s28+$0x20]  }
0x41: {  	v50 =	vld [tilespmem:s28+$0x21];
	_ =	sdelay $0x4  }
0x42: {  	vm14 =	vgt.s32 v50, v3  }
0x43: {  	v3 =	vsel vm14, $0x1, v2  }
0x44: {  	[tilespmem:$0x19060] =	vst v3  }
0x45: {  	v3 =	vld [tilespmem:s28+$0x30]  }
0x46: {  	v51 =	vld [tilespmem:s28+$0x31];
	_ =	sdelay $0x4  }
0x47: {  	vm15 =	vgt.s32 v51, v3  }
0x48: {  	v3 =	vsel vm15, $0x1, v2  }
0x49: {  	[tilespmem:$0x19070] =	vst v3  }
0x4a: {  	v3 =	vld [tilespmem:s28+$0x40]  }
0x4b: {  	v52 =	vld [tilespmem:s28+$0x41];
	_ =	sdelay $0x4  }
0x4c: {  	vm4 =	vgt.s32 v52, v3  }
0x4d: {  	v3 =	vsel vm4, $0x1, v2  }
0x4e: {  	[tilespmem:$0x19080] =	vst v3  }
0x4f: {  	v3 =	vld [tilespmem:s28+$0x50]  }
0x50: {  	v53 =	vld [tilespmem:s28+$0x51];
	_ =	sdelay $0x4  }
0x51: {  	vm5 =	vgt.s32 v53, v3  }
0x52: {  	v3 =	vsel vm5, $0x1, v2  }
0x53: {  	[tilespmem:$0x19090] =	vst v3  }
0x54: {  	v3 =	vld [tilespmem:s28+$0x60]  }
0x55: {  	v54 =	vld [tilespmem:s28+$0x61];
	_ =	sdelay $0x4  }
0x56: {  	vm6 =	vgt.s32 v54, v3  }
0x57: {  	v3 =	vsel vm6, $0x1, v2  }
0x58: {  	[tilespmem:$0x190A0] =	vst v3  }
0x59: {  	v3 =	vld [tilespmem:s28+$0x70]  }
0x5a: {  	v55 =	vld [tilespmem:s28+$0x71];
	_ =	sdelay $0x4  }
0x5b: {  	vm7 =	vgt.s32 v55, v3  }
0x5c: {  	v3 =	vsel vm7, $0x1, v2  }
0x5d: {  	[tilespmem:$0x190B0] =	vst v3  }
0x5e: {  	v3 =	vld [tilespmem:s28+$0x80]  }
0x5f: {  	v56 =	vld [tilespmem:s28+$0x81];
	_ =	sdelay $0x4  }
0x60: {  	vm8 =	vgt.s32 v56, v3  }
0x61: {  	v3 =	vsel vm8, $0x1, v2  }
0x62: {  	[tilespmem:$0x190C0] =	vst v3  }
0x63: {  	v3 =	vld [tilespmem:s28+$0x90]  }
0x64: {  	v57 =	vld [tilespmem:s28+$0x91];
	_ =	sdelay $0x4  }
0x65: {  	vm9 =	vgt.s32 v57, v3  }
0x66: {  	v3 =	vsel vm9, $0x1, v2  }
0x67: {  	[tilespmem:$0x190D0] =	vst v3  }
0x68: {  	v3 =	vld [tilespmem:s28+$0xA0]  }
0x69: {  	v58 =	vld [tilespmem:s28+$0xA1];
	_ =	sdelay $0x4  }
0x6a: {  	vm10 =	vgt.s32 v58, v3  }
0x6b: {  	v3 =	vsel vm10, $0x1, v2  }
0x6c: {  	[tilespmem:$0x190E0] =	vst v3  }
0x6d: {  	v3 =	vld [tilespmem:s28+$0xB0]  }
0x6e: {  	v59 =	vld [tilespmem:s28+$0xB1];
	_ =	sdelay $0x4  }
0x6f: {  	vm11 =	vgt.s32 v59, v3  }
0x70: {  	v3 =	vsel vm11, $0x1, v2  }
0x71: {  	[tilespmem:$0x190F0] =	vst v3  }
0x72: {  	v3 =	vld [tilespmem:s28+$0xC0]  }
0x73: {  	v60 =	vld [tilespmem:s28+$0xC1];
	_ =	sdelay $0x4  }
0x74: {  	vm12 =	vgt.s32 v60, v3  }
0x75: {  	v3 =	vsel vm12, $0x1, v2  }
0x76: {  	[tilespmem:$0x19100] =	vst v3  }
0x77: {  	v3 =	vld [tilespmem:s28+$0xD0]  }
0x78: {  	v61 =	vld [tilespmem:s28+$0xD1];
	_ =	sdelay $0x4  }
0x79: {  	vm13 =	vgt.s32 v61, v3  }
0x7a: {  	v3 =	vsel vm13, $0x1, v2  }
0x7b: {  	[tilespmem:$0x19110] =	vst v3  }
0x7c: {  	v3 =	vld [tilespmem:s28+$0xE0]  }
0x7d: {  	v62 =	vld [tilespmem:s28+$0xE1];
	_ =	sdelay $0x4  }
0x7e: {  	vm14 =	vgt.s32 v62, v3  }
0x7f: {  	v3 =	vsel vm14, $0x1, v2  }
0x80: {  	[tilespmem:$0x19120] =	vst v3  }
0x81: {  	v3 =	vld [tilespmem:s28+$0xF0]  }
0x82: {  	v63 =	vld [tilespmem:s28+$0xF1];
	_ =	sdelay $0x4  }
0x83: {  	vm15 =	vgt.s32 v63, v3  }
0x84: {  	s1 =	rddreg [dreg:$0x3];
	v3 =	vsel vm15, $0x1, v2  }
0x85: {  	s2 =	simm.s32 $0x15040;
	s1 =	sadd.s32 s1, s26;
	[tilespmem:$0x19130] =	vst v3  }
0x86: {  	[hbm4b:s1+s3] =	stream.linear.scatter [tilespmem:s2], [sflag:$0x3], $0x4000, $0x38;
	[tilespmem:$0x19140] =	vst v63  }
0x87: {  	s30 =	sshrl.u32 s25, $0x3;
	s23 =	sadd.s32 $0x1, s23;
	_ =	swait.ge [sflag:s12], $0x4000  }
0x88: {  	s31 =	simm.s32 $0x19040;
	p0 =	sne.s32 s23, $0x4;
	[sflag:s12] =	ssyncset.done $0x0  }
.Ltmp3:
0x89: {  	s1 =	sadd.s32 s9, s30;
	[sflag:s12] =	ssyncadd.s32 $0xFFFFC000;
	(pc) =	sbr.rel @!p0 .LBB2_40-.Ltmp3, $4  }
0x8a: {  	[hbm4b:s1+s3] =	stream.linear.scatter [tilespmem:s31], [sflag:$0x3], $0x100, $0x38;
	[tilespmem:$0x19140] =	vst v63  }
0x8b: {  	_ =	swait.ge [sflag:s12], $0x100  }
0x8c: {  	[sflag:s12] =	ssyncset.done $0x0  }
0x8d: {  	[sflag:s12] =	ssyncadd.s32 $0xFFFFFF00  }
.LBB2_2:
0x8e: {  	s28 =	sshll.u32 s23, $0x8  }
0x8f: {  	s25 =	sor.u32 s8, s28  }
0x90: {  	s1 =	rddreg [dreg:$0x0];
	s30 =	simm.s32 $0x0;
	s26 =	sshll.u32 s25, $0x3  }
.Ltmp4:
0x91: {  	s2 =	simm.s32 $0x11040;
	s1 =	sadd.s32 s1, s26;
	(pc) =	sbr.rel .LBB2_3-.Ltmp4, $4  }
0x92: {  	[tilespmem:s2], [sflag:$0x3] =	stream.linear.gather [hbm4b:s1+s30], $0x4000, $0x38;
	[tilespmem:$0x19140] =	vst v63  }
0x93: {  	_ =	swait.ge [sflag:s12], $0x4000  }
0x94: {  	[sflag:s12] =	ssyncset.done $0x0  }
0x95: {  	v3 =	vmov s28;
	[sflag:s12] =	ssyncadd.s32 $0xFFFFC000  }
.LBB2_21:
0x96: {  	v7 =	vmov v4;
	v4 =	vmov v8  }
.LBB2_38:
0x97: {  	s1 =	sshll.u32 s30, $0x6  }
0x98: {  	v8 =	vld [tilespmem:s1+$0x11040]  }
0x99: {  	v9 =	vld [tilespmem:s1+$0x11050]  }
0x9a: {  	v10 =	vld [tilespmem:s1+$0x11060]  }
0x9b: {  	v11 =	vld [tilespmem:s1+$0x11070]  }
0x9c: {  	s30 =	sadd.s32 $0x1, s30  }
0x9d: {  	p0 =	sne.s32 s30, $0x100;
	v7 =	vadd.f32 v8, v7  }
.Ltmp5:
0x9e: {  	v6 =	vadd.f32 v9, v6;
	(pc) =	sbr.rel @!p0 .LBB2_39-.Ltmp5, $4  }
0x9f: {  	v5 =	vadd.f32 v10, v5;
	[tilespmem:s1+$0x15040] =	vst v7  }
0xa0: {  	v4 =	vadd.f32 v11, v4;
	[tilespmem:s1+$0x15050] =	vst v6  }
0xa1: {  	[tilespmem:s1+$0x15060] =	vst v5  }
0xa2: {  	[tilespmem:s1+$0x15070] =	vst v4  }
.LBB2_3:
0xa3: {  	_ =	sdelay $0x3  }
0xa4: {  	v4 =	vld.idx.msk [tilespmem:v3+s30+$0x0 ss:$0x1], $0xffff;
	_ =	sdelay $0x4  }
0xa5: {  	(v2sf) =	vpush v4, $0x0;
	_ =	sdelay $0x4  }
0xa6: {  	(v2sf) =	vpush v4, $0x1;
	_ =	sdelay $0x9  }
0xa7: {  	s2 =	spop (v2sf)  }
0xa8: {  	s1 =	ssub.s32 s2, s21  }
0xa9: {  	v4 =	vld [tilespmem:s1+$0x410]  }
0xaa: {  	v5 =	vld [tilespmem:s1+$0x411];
	_ =	sdelay $0x1  }
0xab: {  	s13 =	spop (v2sf)  }
0xac: {  	s1 =	ssub.s32 s13, s2  }
0xad: {  	v6 =	vmov s1  }
0xae: {  	vm1 =	vgt.s32 v6, v0;
	vm0 =	veq.s32 v4, v5  }
0xaf: {  	vm0 =	vmand vm0, vm1  }
0xb0: {  	v4 =	vsel vm0, $0x3F800000, v1  }
0xb1: {  	(xrf0) =	vmax.scan.msk.f32 $0xffff, v4;
	_ =	sdelay $0x5  }
0xb2: {  	v4, _, _ =	vpop (xrf0)  }
0xb3: {  	(v2sf) =	vpush v4, $0xF;
	_ =	sdelay $0x8  }
0xb4: {  	s10 =	sadd.s32 $0xF, s1  }
0xb5: {  	s10 =	sshra.s32 s10, $0x4  }
0xb6: {  	p1 =	slt.s32 s10, $0x2  }
.Ltmp6:
0xb7: {  	_ = 	snop;
	(pc) =	sbr.rel @p1 .LBB2_17-.Ltmp6, $3  }
0xb8: {  	_ =	sdelay $0x1  }
0xb9: {  	s11 =	spop (v2sf)  }
0xba: {  	s31 =	smov.u32 s0;
	p0 =	sgt.f32 s11, $0.0e+00  }
0xbb: {  	s0 =	sadd.s32 $0xFFFFFFFF, s10  }
0xbc: {  	s15 =	sadd.s32 $0xFFFFFFFF, s0  }
0xbd: {  	p5 =	sne.s32 s15, $0x0  }
.Ltmp7:
0xbe: {  	s11 =	sadd.s32 $0x10, s2;
	(pc) =	sbr.rel @!p5 .LBB2_5-.Ltmp7, $4  }
0xbf: {  	s14 =	sshll.u32 s2, $0x2;
	s10 =	sadd.s32 $0xFFFFFFF0, s1;
	p1 =	por $0x0, $0x0  }
0xc0: {  	p2 =	por $0x0, $0x0;
	s18 =	sshra.s32 s14, $0x2;
	s5 =	simm.s32 @!p0 $0x0  }
0xc1: {  	s1 =	ssub.s32 s11, s21;
	s0 =	sadd.s32 $0x10, s11;
	s5 =	simm.s32 @p0 $0x1  }
0xc2: {  	s14 =	sadd.s32 $0x410, s18;
	s18 =	sand.u32 $0xFFFFFFF8, s11;
	[smem:$0x7FD] =	sst s5  }
0xc3: {  	p1 =	slt.s32 s1, $0x7F1;
	p5 =	sgt.s32 s1, $0x7F0  }
0xc4: {  	s15 =	sadd.s32 $0xFFFFFFFF, s15;
	s1 =	sshrl.u32 @!p1 s11, $0x3;
	s21 =	smov.u32 @p5 s18  }
0xc5: {  	s11 =	simm.s32 @!p1 $0x3;
	s16 =	simm.s32 @!p1 $0x0;
	s18 =	simm.s32 @!p1 $0x410  }
0xc6: {  	p5 =	sne.s32 s15, $0x0;
	s1 =	sadd.s32 @!p1 s7, s1;
	s17 =	sshll.u32 s21, $0x2  }
0xc7: {  	[tilespmem:s18], [sflag:$0x3] =	stream.linear.gather @!p1 [hbm4b:s1+s16], $0x810, $0x38;
	[tilespmem:$0x19140] =	vst v63  }
.Ltmp8:
0xc8: {  	s16 =	ssub.s32 $0x0, s17;
	_ =	swait.ge @!p1 [sflag:s11], $0x810;
	(pc) =	sbr.rel @!p5 .LBB2_7-.Ltmp8, $4  }
0xc9: {  	s1 =	sshra.s32 s16, $0x2;
	[sflag:s11] =	ssyncset.done @!p1 $0x0  }
0xca: {  	s17 =	sadd.s32 s1, s14;
	[sflag:s11] =	ssyncadd.s32 @!p1 $0xFFFFF7F0  }
0xcb: {  	s18 =	sand.u32 $0xFFFFFFF8, s0;
	s14 =	sadd.s32 $0x10, s14;
	v4 =	vld [tilespmem:s17+$0x11]  }
0xcc: {  	v6 =	vmov s10;
	s1 =	ssub.s32 s0, s21;
	s11 =	sadd.s32 $0x10, s0;
	p1 =	por $0x1, $0x1;
	v5 =	vld [tilespmem:s17+$0x10]  }
0xcd: {  	p2 =	slt.s32 s1, $0x7F1;
	p5 =	sgt.s32 s1, $0x7F0  }
0xce: {  	s15 =	sadd.s32 $0xFFFFFFFF, s15;
	s0 =	sshrl.u32 @!p2 s0, $0x3;
	s21 =	smov.u32 @p5 s18  }
0xcf: {  	s1 =	simm.s32 @!p2 $0x3;
	s16 =	simm.s32 @!p2 $0x0;
	s18 =	simm.s32 @!p2 $0x410  }
0xd0: {  	p5 =	sne.s32 s15, $0x0;
	s0 =	sadd.s32 @!p2 s7, s0;
	s17 =	sshll.u32 s21, $0x2  }
0xd1: {  	[tilespmem:s18], [sflag:$0x3] =	stream.linear.gather @!p2 [hbm4b:s0+s16], $0x810, $0x38;
	[tilespmem:$0x19140] =	vst v63  }
.Ltmp9:
0xd2: {  	s18 =	ssub.s32 $0x0, s17;
	_ =	swait.ge @!p2 [sflag:s1], $0x810;
	(pc) =	sbr.rel @!p5 .LBB2_9-.Ltmp9, $4  }
0xd3: {  	vm1 =	vgt.s32 v6, v0;
	vm0 =	veq.s32 v5, v4;
	s0 =	sshra.s32 s18, $0x2;
	[sflag:s1] =	ssyncset.done @!p2 $0x0  }
0xd4: {  	vm0 =	vmand vm1, vm0;
	s5 =	sadd.s32 s0, s14;
	[sflag:s1] =	ssyncadd.s32 @!p2 $0xFFFFF7F0  }
0xd5: {  	s16 =	sadd.s32 $0x10, s11;
	s18 =	sand.u32 $0xFFFFFFF8, s11;
	s0 =	sadd.s32 $0xFFFFFFF0, s10;
	v5 =	vsel vm0, $0x3F800000, v1;
	v4 =	vld [tilespmem:s5+$0x11]  }
0xd6: {  	s14 =	sadd.s32 $0x10, s14;
	s1 =	ssub.s32 s11, s21;
	v6 =	vmov s0;
	p2 =	por $0x1, $0x1;
	(xrf0) =	vmax.scan.msk.f32 $0xffff, v5;
	v5 =	vld [tilespmem:s5+$0x10]  }
0xd7: {  	_ =	sdelay $0x2  }
0xd8: {  	p3 =	slt.s32 s1, $0x7F1;
	p5 =	sgt.s32 s1, $0x7F0;
	s15 =	sadd.s32 $0xFFFFFFFF, s15  }
0xd9: {  	s1 =	sshrl.u32 @!p3 s11, $0x3;
	s21 =	smov.u32 @p5 s18;
	s11 =	simm.s32 @!p3 $0x3  }
0xda: {  	s17 =	simm.s32 @!p3 $0x0;
	s5 =	simm.s32 @!p3 $0x410;
	s1 =	sadd.s32 @!p3 s7, s1;
	v7, _, _ =	vpop (xrf0)  }
0xdb: {  	[tilespmem:s5], [sflag:$0x3] =	stream.linear.gather @!p3 [hbm4b:s1+s17], $0x810, $0x38;
	(v2sf) =	vpush v7, $0xF;
	[tilespmem:$0x19140] =	vst v63  }
0xdc: {  	p5 =	sne.s32 s15, $0x0;
	s18 =	sshll.u32 s21, $0x2;
	_ =	swait.ge @!p3 [sflag:s11], $0x810  }
.Ltmp10:
0xdd: {  	s5 =	ssub.s32 $0x0, s18;
	[sflag:s11] =	ssyncset.done @!p3 $0x0;
	(pc) =	sbr.rel @!p5 .LBB2_11-.Ltmp10, $4  }
0xde: {  	vm1 =	vgt.s32 v6, v0;
	vm0 =	veq.s32 v5, v4;
	s1 =	sshra.s32 s5, $0x2;
	[sflag:s11] =	ssyncadd.s32 @!p3 $0xFFFFF7F0;
	p3 =	por $0x1, $0x1  }
0xdf: {  	s0 =	sadd.s32 $0xFFFFFFF0, s0;
	vm0 =	vmand vm1, vm0;
	s17 =	sadd.s32 s1, s14;
	s5 =	simm.s32 @!p3 $0x0  }
0xe0: {  	s18 =	sand.u32 $0xFFFFFFF8, s16;
	s14 =	sadd.s32 $0x10, s14;
	v5 =	vsel vm0, $0x3F800000, v1;
	v4 =	vld [tilespmem:s17+$0x11];
	s5 =	simm.s32 @p3 $0x1  }
0xe1: {  	v6 =	vmov s0;
	s1 =	ssub.s32 s16, s21;
	(xrf0) =	vmax.scan.msk.f32 $0xffff, v5;
	s11 =	sadd.s32 $0x10, s16;
	v5 =	vld [tilespmem:s17+$0x10];
	[smem:$0x7FC] =	sst s5  }
0xe2: {  	p5 =	sgt.s32 s1, $0x7F0  }
0xe3: {  	p4 =	slt.s32 s1, $0x7F1;
	s21 =	smov.u32 @p5 s18  }
0xe4: {  	s1 =	sshrl.u32 @!p4 s16, $0x3;
	s17 =	simm.s32 @!p4 $0x0;
	s16 =	sshll.u32 s21, $0x2  }
0xe5: {  	s18 =	simm.s32 @!p4 $0x410;
	s1 =	sadd.s32 @!p4 s7, s1;
	s16 =	ssub.s32 $0x0, s16  }
0xe6: {  	[tilespmem:s18], [sflag:$0x3] =	stream.linear.gather @!p4 [hbm4b:s1+s17], $0x810, $0x38;
	[tilespmem:$0x19140] =	vst v63  }
0xe7: {  	s17 =	sshra.s32 s16, $0x2;
	s16 =	sadd.s32 $0xFFFFFFFF, s15;
	v7, _, _ =	vpop (xrf0)  }
0xe8: {  	s0 =	sadd.s32 $0xFFFFFFF0, s0;
	s5 =	simm.s32 @!p4 $0x3;
	p6 =	sne.s32 s16, $0x0;
	(v2sf) =	vpush v7, $0xF  }
.Ltmp11:
0xe9: {  	vm1 =	vgt.s32 v6, v0;
	p3 =	por $0x1, $0x1;
	vm0 =	veq.s32 v5, v4;
	_ =	swait.ge @!p4 [sflag:s5], $0x810;
	(pc) =	sbr.rel @!p6 .LBB2_13-.Ltmp11, $4  }
0xea: {  	p5 =	por p0, p0;
	s18 =	sand.u32 $0xFFFFFFF8, s11;
	vm0 =	vmand vm1, vm0;
	[sflag:s5] =	ssyncset.done @!p4 $0x0  }
0xeb: {  	s15 =	sadd.s32 s17, s14;
	v5 =	vsel vm0, $0x3F800000, v1;
	[sflag:s5] =	ssyncadd.s32 @!p4 $0xFFFFF7F0;
	s5 =	simm.s32 @!p3 $0x0  }
0xec: {  	s1 =	ssub.s32 s11, s21;
	s14 =	sadd.s32 $0x10, s14;
	(xrf0) =	vmax.scan.msk.f32 $0xffff, v5;
	v4 =	vld [tilespmem:s15+$0x11];
	s5 =	simm.s32 @p3 $0x1  }
0xed: {  	v6 =	vmov s0;
	s17 =	sadd.s32 $0x10, s11;
	v5 =	vld [tilespmem:s15+$0x10];
	s15 =	spop (v2sf);
	[smem:$0x7FB] =	sst s5  }
.LBB2_14:
0xee: {  	p6 =	slt.s32 s1, $0x7F1;
	p4 =	sgt.s32 s1, $0x7F0  }
0xef: {  	p3 =	sgt.f32 s15, $0.0e+00;
	s16 =	sadd.s32 $0xFFFFFFFF, s16;
	s21 =	smov.u32 @p4 s18  }
0xf0: {  	s1 =	sshrl.u32 @!p6 s11, $0x3;
	s5 =	simm.s32 @!p6 $0x3;
	s11 =	simm.s32 @!p6 $0x0  }
0xf1: {  	s18 =	simm.s32 @!p6 $0x410;
	s1 =	sadd.s32 @!p6 s7, s1;
	s15 =	sshll.u32 s21, $0x2  }
0xf2: {  	p5 =	por p5, p3;
	p3 =	sne.s32 s16, $0x0;
	s15 =	ssub.s32 $0x0, s15;
	v7, _, _ =	vpop (xrf0)  }
0xf3: {  	vm1 =	vgt.s32 v6, v0;
	[tilespmem:s18], [sflag:$0x3] =	stream.linear.gather @!p6 [hbm4b:s1+s11], $0x810, $0x38;
	vm0 =	veq.s32 v5, v4;
	(v2sf) =	vpush v7, $0xF;
	[tilespmem:$0x19140] =	vst v63  }
.Ltmp12:
0xf4: {  	s1 =	sshra.s32 s15, $0x2;
	_ =	swait.ge @!p6 [sflag:s5], $0x810;
	vm0 =	vmand vm1, vm0;
	(pc) =	sbr.rel @p3 .LBB2_14-.Ltmp12, $4  }
0xf5: {  	s18 =	sand.u32 $0xFFFFFFF8, s17;
	s15 =	sadd.s32 s1, s14;
	[sflag:s5] =	ssyncset.done @!p6 $0x0;
	v4 =	vsel vm0, $0x3F800000, v1  }
0xf6: {  	s11 =	smov.u32 s17;
	[sflag:s5] =	ssyncadd.s32 @!p6 $0xFFFFF7F0;
	(xrf0) =	vmax.scan.msk.f32 $0xffff, v4  }
0xf7: {  	s0 =	sadd.s32 $0xFFFFFFF0, s0;
	s14 =	sadd.s32 $0x10, s14;
	v4 =	vld [tilespmem:s15+$0x11]  }
0xf8: {  	v6 =	vmov s0;
	s17 =	sadd.s32 $0x10, s17;
	s1 =	ssub.s32 s11, s21;
	v5 =	vld [tilespmem:s15+$0x10];
	s15 =	spop (v2sf)  }
0xf9: {  	_ = 	snop  }
.LBB2_16:
0xfa: {  	p6 =	slt.s32 s1, $0x7F1;
	p3 =	sgt.s32 s1, $0x7F0  }
0xfb: {  	s21 =	smov.u32 @p3 s18;
	s1 =	sshrl.u32 @!p6 s11, $0x3  }
0xfc: {  	s5 =	simm.s32 @!p6 $0x0;
	s11 =	simm.s32 @!p6 $0x410;
	s1 =	sadd.s32 @!p6 s7, s1  }
0xfd: {  	v7, _, _ =	vpop @p2 (xrf0);
	[tilespmem:s11], [sflag:$0x3] =	stream.linear.gather @!p6 [hbm4b:s1+s5], $0x810, $0x38;
	[tilespmem:$0x19140] =	vst v63  }
0xfe: {  	s1 =	simm.s32 @!p6 $0x3;
	s11 =	sshll.u32 s21, $0x2;
	(v2sf) =	vpush @p2 v7, $0xF  }
0xff: {  	s5 =	ssub.s32 $0x0, s11;
	_ =	swait.ge @!p6 [sflag:s1], $0x810  }
0x100: {  	s5 =	sshra.s32 s5, $0x2;
	[sflag:s1] =	ssyncset.done @!p6 $0x0  }
0x101: {  	s5 =	sadd.s32 s5, s14;
	[sflag:s1] =	ssyncadd.s32 @!p6 $0xFFFFF7F0  }
0x102: {  	v63 =	vld [tilespmem:s5+$0x11]  }
0x103: {  	v8 =	vld [tilespmem:s5+$0x10];
	_ =	sdelay $0x1  }
0x104: {  	vm1 =	vgt.s32 @p1 v6, v0;
	s0 =	sadd.s32 @p1 $0xFFFFFFF0, s0;
	vm0 =	veq.s32 @p1 v5, v4  }
0x105: {  	s10 =	smov.u32 @p1 s0;
	vm0 =	vmand @p1 vm1, vm0  }
0x106: {  	v5 =	vmov s10;
	v4 =	vsel @p1 vm0, $0x3F800000, v1  }
0x107: {  	vm15 =	vgt.s32 v5, v0;
	(xrf0) =	vmax.scan.msk.f32 @p1 $0xffff, v4;
	vm14 =	veq.s32 v8, v63  }
0x108: {  	vm0 =	vmand vm15, vm14  }
0x109: {  	v4 =	vsel vm0, $0x3F800000, v1  }
0x10a: {  	(xrf0) =	vmax.scan.msk.f32 $0xffff, v4;
	_ =	sdelay $0x2  }
0x10b: {  	v4, _, _ =	vpop @p1 (xrf0)  }
0x10c: {  	(v2sf) =	vpush @p1 v4, $0xF;
	_ =	sdelay $0x1  }
0x10d: {  	v4, _, _ =	vpop (xrf0)  }
0x10e: {  	(v2sf) =	vpush v4, $0xF  }
0x10f: {  	s16 =	sld [smem:$0x7FC];
	_ =	sdelay $0x2  }
0x110: {  	s17 =	sld [smem:$0x7FB];
	p6 =	seq.s32 s16, $0x1  }
0x111: {  	s0 =	spop @p6 (v2sf)  }
0x112: {  	s0 =	smov.u32 @p6 s0  }
0x113: {  	p0 =	seq.s32 s17, $0x1;
	p4 =	sgt.f32 @p6 s0, $0.0e+00;
	s0 =	sld [smem:$0x7FD]  }
0x114: {  	p3 =	sgt.f32 @p0 s15, $0.0e+00;
	_ =	sdelay $0x1  }
0x115: {  	p3 =	por @p0 p5, p3;
	p5 =	seq.s32 s0, $0x1;
	s1 =	spop @p2 (v2sf)  }
0x116: {  	p3 =	por @!p0 p5, p5;
	s0 =	smov.u32 @p2 s1  }
0x117: {  	p3 =	por @p6 p3, p4;
	p4 =	sgt.f32 @p2 s0, $0.0e+00;
	s0 =	spop @p1 (v2sf)  }
0x118: {  	p3 =	por @!p6 p5, p5;
	s0 =	smov.u32 @p1 s0  }
0x119: {  	p3 =	por @p2 p3, p4;
	p4 =	sgt.f32 @p1 s0, $0.0e+00  }
0x11a: {  	p3 =	por @!p2 p5, p5;
	s18 =	spop (v2sf)  }
0x11b: {  	p2 =	por @p1 p3, p4;
	p6 =	sgt.f32 s18, $0.0e+00  }
0x11c: {  	p2 =	por @!p1 p5, p5  }
0x11d: {  	p0 =	por p2, p6  }
.LBB2_17:
0x11e: {  	s0 =	ssub.s32 s13, s21  }
0x11f: {  	p1 =	slt.s32 s0, $0x7F1  }
0x120: {  	s1 =	sshrl.u32 @!p1 s13, $0x3  }
0x121: {  	s5 =	simm.s32 @!p1 $0x0;
	s10 =	simm.s32 @!p1 $0x410;
	s1 =	sadd.s32 @!p1 s7, s1  }
0x122: {  	[tilespmem:s10], [sflag:$0x3] =	stream.linear.gather @!p1 [hbm4b:s1+s5], $0x810, $0x38;
	[tilespmem:$0x19140] =	vst v63  }
0x123: {  	s1 =	simm.s32 @!p1 $0x3  }
0x124: {  	p2 =	sgt.s32 s0, $0x7F0;
	s0 =	sand.u32 $0xFFFFFFF8, s13;
	_ =	swait.ge @!p1 [sflag:s1], $0x810  }
0x125: {  	s21 =	smov.u32 @p2 s0;
	[sflag:s1] =	ssyncset.done @!p1 $0x0  }
0x126: {  	s0 =	ssub.s32 s13, s21;
	[sflag:s1] =	ssyncadd.s32 @!p1 $0xFFFFF7F0  }
0x127: {  	v4 =	vld [tilespmem:s0+$0x410];
	_ =	sdelay $0x4  }
0x128: {  	(v2sf) =	vpush v4, $0x0;
	_ =	sdelay $0xe  }
0x129: {  	s1 =	sadd.s32 $0x200, s29;
	s0 =	spop (v2sf)  }
0x12a: {  	v4 =	vpsel !p0, $0xFF61B1E6, v1;
	p0 =	sgt.s32 s0, s1  }
.Ltmp13:
0x12b: {  	_ = 	snop;
	(pc) =	sbr.rel @!p0 .LBB2_18-.Ltmp13, $3  }
0x12c: {  	_ =	sdelay $0x1  }
0x12d: {  	p6 =	sle.s32 s13, s2  }
0x12e: {  	v4 =	vpsel p6, $0x0, v4  }
0x12f: {  	p0 =	slt.s32 s31, s1;
	s2 =	sadd.s32 $0x400, s29  }
0x130: {  	s2 =	smov.u32 @p0 s1  }
0x131: {  	s1 =	ssub.s32 s0, s2  }
0x132: {  	s1 =	sadd.s32 $0x1FF, s1  }
0x133: {  	s1 =	sshra.s32 s1, $0x9  }
0x134: {  	p0 =	sgt.s32 s0, s2;
	s2 =	sadd.s32 $0x1, s1  }
0x135: {  	s2 =	simm.s32 @!p0 $0x1;
	p0 =	sle.s32 s0, s31  }
0x136: {  	p1 =	slt.s32 @!p0 s2, $0x1  }
0x137: {  	p1 =	por p0, p1  }
.Ltmp14:
0x138: {  	_ = 	snop;
	(pc) =	sbr.rel @p1 .LBB2_42-.Ltmp14, $2  }
0x139: {  	_ =	sdelay $0x2  }
0x13a: {  	s13 =	simm.s32 $0x0  }
.Ltmp15:
0x13b: {  	(pc) =	sbr.rel .LBB2_30-.Ltmp15, $2  }
0x13c: {  	_ =	sdelay $0x2  }
0x13d: {  	v5 =	vmov v4;
	v6 =	vmov v4;
	v7 =	vmov v4  }
.LBB2_37:
0x13e: {  	s13 =	sadd.s32 $0x1, s13  }
0x13f: {  	p0 =	sgt.s32 s2, s13  }
.Ltmp16:
0x140: {  	_ = 	snop;
	(pc) =	sbr.rel @!p0 .LBB2_38-.Ltmp16, $2  }
0x141: {  	_ =	sdelay $0x2  }
0x142: {  	s31 =	smov.u32 s10  }
.LBB2_30:
0x143: {  	s5 =	ssub.s32 s31, s20  }
0x144: {  	s10 =	sadd.s32 $0x200, s29;
	s11 =	sshrl.u32 s5, $0x9  }
0x145: {  	p0 =	slt.s32 s31, s10;
	s15 =	sand.u32 $0x1, s11  }
0x146: {  	s5 =	sand.u32 $0xFFFFFE00, s5;
	p1 =	sne.s32 @!p0 s15, $0x0  }
0x147: {  	s10 =	sadd.s32 @!p0 s5, s22;
	p2 =	por !p1, p0  }
0x148: {  	p3 =	sge.s32 @!p2 s10, s19;
	s11 =	simm.s32 @!p2 $0x2  }
0x149: {  	_ =	swait.ge @!p2 [sflag:s11], $0x8000;
	p3 =	por @!p0 p3, !p1  }
0x14a: {  	[sflag:s11] =	ssyncset.done @!p2 $0x0;
	p3 =	por p3, p0  }
0x14b: {  	[sflag:s11] =	ssyncadd.s32 @!p2 $0xFFFF8000;
	s11 =	sshrl.u32 @!p3 s10, $0x3  }
0x14c: {  	s14 =	simm.s32 @!p3 $0x0;
	s16 =	simm.s32 @!p3 $0xC40;
	s11 =	sadd.s32 @!p3 s6, s11  }
0x14d: {  	[tilespmem:s16], [sflag:$0x3] =	stream.linear.gather @!p3 [hbm4b:s11+s14], $0x200, $0x38;
	[tilespmem:$0x19140] =	vst v63  }
0x14e: {  	s11 =	simm.s32 @!p3 $0x3  }
0x14f: {  	_ =	swait.ge @!p3 [sflag:s11], $0x200  }
0x150: {  	p2 =	por p1, p0;
	[sflag:s11] =	ssyncset.done @!p3 $0x0  }
0x151: {  	s14 =	simm.s32 @!p3 $0x1040;
	[sflag:s11] =	ssyncadd.s32 @!p3 $0xFFFFFE00;
	s11 =	simm.s32 @!p3 $0x200  }
0x152: {  	[tilespmem:s14], [sflag:$0x1] =	stream.indirect.gather @!p3 [hbm4b:s4+s11], $0x40, s16, s11, $0xb8;
	[tilespmem:$0x19140] =	vst v63  }
0x153: {  	p3 =	sge.s32 @!p2 s10, s19;
	s11 =	simm.s32 @!p2 $0x1  }
0x154: {  	_ =	swait.ge @!p2 [sflag:s11], $0x8000;
	p1 =	por @!p0 p3, p1  }
0x155: {  	[sflag:s11] =	ssyncset.done @!p2 $0x0;
	p1 =	por p1, p0  }
0x156: {  	[sflag:s11] =	ssyncadd.s32 @!p2 $0xFFFF8000;
	s10 =	sshrl.u32 @!p1 s10, $0x3  }
0x157: {  	s11 =	simm.s32 @!p1 $0x0;
	s14 =	simm.s32 @!p1 $0xE40;
	s10 =	sadd.s32 @!p1 s6, s10  }
0x158: {  	[tilespmem:s14], [sflag:$0x3] =	stream.linear.gather @!p1 [hbm4b:s10+s11], $0x200, $0x38;
	[tilespmem:$0x19140] =	vst v63  }
0x159: {  	s10 =	simm.s32 @!p1 $0x3  }
0x15a: {  	s1 =	smov.u32 s29;
	s29 =	sadd.s32 s20, s5;
	_ =	swait.ge @!p1 [sflag:s10], $0x200  }
0x15b: {  	s29 =	smov.u32 @p0 s1;
	s1 =	simm.s32 @!p1 $0x200;
	[sflag:s10] =	ssyncset.done @!p1 $0x0  }
0x15c: {  	s5 =	simm.s32 @!p1 $0x9040;
	[sflag:s10] =	ssyncadd.s32 @!p1 $0xFFFFFE00;
	s10 =	sadd.s32 $0x200, s29  }
0x15d: {  	[tilespmem:s5], [sflag:$0x2] =	stream.indirect.gather @!p1 [hbm4b:s4+s1], $0x40, s14, s1, $0xb8;
	[tilespmem:$0x19140] =	vst v63  }
0x15e: {  	p1 =	slt.s32 s0, s10  }
0x15f: {  	s10 =	smov.u32 @p1 s0  }
0x160: {  	p1 =	sgt.s32 s31, s10  }
0x161: {  	s10 =	smov.u32 @p1 s31  }
0x162: {  	s11 =	ssub.s32 s10, s31  }
0x163: {  	s18 =	sshra.s32 s11, $0x1F  }
0x164: {  	s1 =	sshrl.u32 s18, $0x1E  }
0x165: {  	s1 =	sadd.s32 s1, s11  }
0x166: {  	s14 =	sand.u32 $0xFFFFFFFC, s1  }
0x167: {  	s18 =	sadd.s32 s31, s14  }
0x168: {  	p1 =	sge.s32 s31, s18  }
.Ltmp17:
0x169: {  	_ = 	snop;
	(pc) =	sbr.rel @p1 .LBB2_34-.Ltmp17, $3  }
0x16a: {  	_ =	sdelay $0x1  }
0x16b: {  	s1 =	smov.u32 s24;
	s24 =	sshll.u32 s15, $0x9  }
0x16c: {  	s24 =	smov.u32 @p0 s1  }
0x16d: {  	s1 =	sshll.u32 s24, $0x8;
	s5 =	sshll.u32 s31, $0x8  }
0x16e: {  	s17 =	sshll.u32 s29, $0x8;
	s1 =	sadd.s32 s5, s1  }
0x16f: {  	s1 =	ssub.s32 s1, s17  }
0x170: {  	s1 =	sshra.s32 s1, $0x2  }
0x171: {  	s1 =	sadd.s32 $0x1040, s1  }
0x172: {  	v8 =	vmov s1;
	_ =	sdelay $0x3  }
0x173: {  	s1 =	simm.s32 $0x0  }
0x174: {  	v15 =	vld.idx.msk [tilespmem:v8+s1+$0xC0 ss:$0x1], $0xffff  }
0x175: {  	v10 =	vld.idx.msk [tilespmem:v8+s1+$0xD0 ss:$0x1], $0xffff  }
0x176: {  	v12 =	vld.idx.msk [tilespmem:v8+s1+$0xE0 ss:$0x1], $0xffff  }
0x177: {  	v13 =	vld.idx.msk [tilespmem:v8+s1+$0x80 ss:$0x1], $0xffff  }
0x178: {  	v9 =	vld.idx.msk [tilespmem:v8+s1+$0x90 ss:$0x1], $0xffff  }
0x179: {  	v11 =	vld.idx.msk [tilespmem:v8+s1+$0xA0 ss:$0x1], $0xffff  }
0x17a: {  	v18 =	vld.idx.msk [tilespmem:v8+s1+$0x40 ss:$0x1], $0xffff  }
0x17b: {  	v14 =	vld.idx.msk [tilespmem:v8+s1+$0x50 ss:$0x1], $0xffff  }
0x17c: {  	s15 =	sadd.s32 $0x4, s31;
	v17 =	vld.idx.msk [tilespmem:v8+s1+$0x0 ss:$0x1], $0xffff  }
0x17d: {  	p0 =	slt.s32 s15, s18;
	v16 =	vld.idx.msk [tilespmem:v8+s1+$0x60 ss:$0x1], $0xffff  }
.Ltmp18:
0x17e: {  	v19 =	vld.idx.msk [tilespmem:v8+s1+$0x10 ss:$0x1], $0xffff;
	(pc) =	sbr.rel @!p0 .LBB2_33-.Ltmp18, $4  }
0x17f: {  	v20 =	vld.idx.msk [tilespmem:v8+s1+$0x20 ss:$0x1], $0xffff  }
0x180: {  	v22 =	vld.idx.msk [tilespmem:v8+s1+$0x30 ss:$0x1], $0xffff  }
0x181: {  	v21 =	vld.idx.msk [tilespmem:v8+s1+$0x70 ss:$0x1], $0xffff  }
0x182: {  	s16 =	simm.s32 $0x400;
	v7 =	vmax.f32 v7, v17;
	v17 =	vld.idx.msk [tilespmem:v8+s1+$0xB0 ss:$0x1], $0xffff  }
.LBB2_32:
0x183: {  	v7 =	vmax.f32 v7, v18;
	v18 =	vld.idx.msk [tilespmem:v8+s1+$0xF0 ss:$0x1], $0xffff;
	s1 =	sshra.s32 s16, $0x2  }
0x184: {  	v23 =	vld.idx.msk [tilespmem:v8+s1+$0xC0 ss:$0x1], $0xffff;
	v7 =	vmax.f32 v7, v13  }
0x185: {  	v24 =	vld.idx.msk [tilespmem:v8+s1+$0xD0 ss:$0x1], $0xffff;
	v7 =	vmax.f32 v7, v15  }
0x186: {  	v6 =	vmax.f32 v6, v19;
	v5 =	vmax.f32 v5, v20;
	v4 =	vmax.f32 v4, v22;
	v25 =	vld.idx.msk [tilespmem:v8+s1+$0xE0 ss:$0x1], $0xffff  }
0x187: {  	v6 =	vmax.f32 v6, v14;
	v5 =	vmax.f32 v5, v16;
	v4 =	vmax.f32 v4, v21;
	v13 =	vld.idx.msk [tilespmem:v8+s1+$0x80 ss:$0x1], $0xffff  }
0x188: {  	v6 =	vmax.f32 v6, v9;
	v5 =	vmax.f32 v5, v11;
	v4 =	vmax.f32 v4, v17;
	v9 =	vld.idx.msk [tilespmem:v8+s1+$0x90 ss:$0x1], $0xffff  }
0x189: {  	v6 =	vmax.f32 v6, v10;
	v5 =	vmax.f32 v5, v12;
	v4 =	vmax.f32 v4, v18;
	v11 =	vld.idx.msk [tilespmem:v8+s1+$0xA0 ss:$0x1], $0xffff  }
0x18a: {  	v15 =	vmov v23;
	v18 =	vld.idx.msk [tilespmem:v8+s1+$0x40 ss:$0x1], $0xffff  }
0x18b: {  	v10 =	vmov v24;
	v14 =	vld.idx.msk [tilespmem:v8+s1+$0x50 ss:$0x1], $0xffff  }
0x18c: {  	s15 =	sadd.s32 $0x4, s15;
	v12 =	vmov v25;
	v17 =	vld.idx.msk [tilespmem:v8+s1+$0x0 ss:$0x1], $0xffff  }
0x18d: {  	p0 =	slt.s32 s15, s18;
	v16 =	vld.idx.msk [tilespmem:v8+s1+$0x60 ss:$0x1], $0xffff  }
.Ltmp19:
0x18e: {  	v19 =	vld.idx.msk [tilespmem:v8+s1+$0x10 ss:$0x1], $0xffff;
	(pc) =	sbr.rel @p0 .LBB2_32-.Ltmp19, $4  }
0x18f: {  	v20 =	vld.idx.msk [tilespmem:v8+s1+$0x20 ss:$0x1], $0xffff  }
0x190: {  	v22 =	vld.idx.msk [tilespmem:v8+s1+$0x30 ss:$0x1], $0xffff  }
0x191: {  	v21 =	vld.idx.msk [tilespmem:v8+s1+$0x70 ss:$0x1], $0xffff  }
0x192: {  	s16 =	sadd.s32 $0x400, s16;
	v7 =	vmax.f32 v7, v17;
	v17 =	vld.idx.msk [tilespmem:v8+s1+$0xB0 ss:$0x1], $0xffff  }
.LBB2_33:
0x193: {  	_ =	sdelay $0x3  }
0x194: {  	v7 =	vmax.f32 v7, v18;
	v8 =	vld.idx.msk [tilespmem:v8+s1+$0xF0 ss:$0x1], $0xffff  }
0x195: {  	v6 =	vmax.f32 v6, v19;
	v7 =	vmax.f32 v7, v13  }
0x196: {  	v5 =	vmax.f32 v5, v20;
	v6 =	vmax.f32 v6, v14;
	v4 =	vmax.f32 v4, v22  }
0x197: {  	v7 =	vmax.f32 v7, v15;
	v5 =	vmax.f32 v5, v16;
	v4 =	vmax.f32 v4, v21  }
0x198: {  	v6 =	vmax.f32 v6, v9;
	v5 =	vmax.f32 v5, v11;
	v4 =	vmax.f32 v4, v17  }
0x199: {  	v6 =	vmax.f32 v6, v10;
	v5 =	vmax.f32 v5, v12;
	v4 =	vmax.f32 v4, v8  }
.LBB2_34:
0x19a: {  	p0 =	sge.s32 s18, s10  }
.Ltmp20:
0x19b: {  	_ = 	snop;
	(pc) =	sbr.rel @p0 .LBB2_37-.Ltmp20, $1  }
0x19c: {  	_ =	sdelay $0x3  }
0x19d: {  	s5 =	sadd.s32 s10, s24  }
0x19e: {  	s1 =	ssub.s32 s11, s14;
	s5 =	ssub.s32 s5, s29  }
0x19f: {  	s5 =	ssub.s32 s5, s1  }
0x1a0: {  	s5 =	sshll.u32 s5, $0x8  }
0x1a1: {  	s5 =	sshra.s32 s5, $0x2  }
0x1a2: {  	s11 =	sadd.s32 $0x1060, s5  }
.LBB2_36:
0x1a3: {  	v8 =	vld [tilespmem:s11+$0xFFFFFFE0]  }
0x1a4: {  	v9 =	vld [tilespmem:s11+$0xFFFFFFF0]  }
0x1a5: {  	v10 =	vld [tilespmem:s11+$0x0]  }
0x1a6: {  	v11 =	vld [tilespmem:s11+$0x10];
	p0 =	sne.s32 s1, $0x1  }
.Ltmp21:
0x1a7: {  	_ = 	snop;
	(pc) =	sbr.rel @p0 .LBB2_36-.Ltmp21, $3  }
0x1a8: {  	_ =	sdelay $0x1  }
0x1a9: {  	v7 =	vmax.f32 v7, v8  }
0x1aa: {  	s11 =	sadd.s32 $0x40, s11;
	s1 =	sadd.s32 $0xFFFFFFFF, s1;
	v6 =	vmax.f32 v6, v9;
	v5 =	vmax.f32 v5, v10;
	v4 =	vmax.f32 v4, v11  }
.Ltmp22:
0x1ab: {  	_ = 	snop;
	(pc) =	sbr.rel .LBB2_37-.Ltmp22, $1  }
0x1ac: {  	_ =	sdelay $0x3  }
.LBB2_18:
0x1ad: {  	s1 =	ssub.s32 s0, s31  }
0x1ae: {  	s2 =	sshrl.u32 s1, $0x1F  }
0x1af: {  	s2 =	sadd.s32 s2, s1  }
0x1b0: {  	s2 =	sand.u32 $0xFFFFFFFE, s2  }
0x1b1: {  	s10 =	sadd.s32 s31, s2  }
0x1b2: {  	p0 =	sge.s32 s31, s10  }
.Ltmp23:
0x1b3: {  	_ = 	snop;
	(pc) =	sbr.rel @p0 .LBB2_19-.Ltmp23, $1  }
0x1b4: {  	_ =	sdelay $0x3  }
0x1b5: {  	s5 =	sadd.s32 s24, s31  }
0x1b6: {  	s5 =	ssub.s32 s5, s29  }
0x1b7: {  	s5 =	sshll.u32 s5, $0x8  }
0x1b8: {  	s5 =	sshra.s32 s5, $0x2  }
0x1b9: {  	s13 =	sadd.s32 $0x1070, s5  }
0x1ba: {  	v11 =	vld [tilespmem:s13+$0x10]  }
0x1bb: {  	s11 =	sadd.s32 $0x2, s31;
	v5 =	vld [tilespmem:s13+$0x20]  }
0x1bc: {  	p0 =	slt.s32 s11, s10;
	v8 =	vld [tilespmem:s13+$0x30]  }
.Ltmp24:
0x1bd: {  	v7 =	vld [tilespmem:s13+$0xFFFFFFD0];
	(pc) =	sbr.rel @!p0 .LBB2_24-.Ltmp24, $4  }
0x1be: {  	v6 =	vld [tilespmem:s13+$0xFFFFFFE0]  }
0x1bf: {  	v9 =	vld [tilespmem:s13+$0xFFFFFFF0]  }
0x1c0: {  	v12 =	vld [tilespmem:s13+$0x0]  }
0x1c1: {  	v13 =	vmov v4;
	v14 =	vmov v4;
	v15 =	vmov v4;
	v10 =	vld [tilespmem:s13+$0x40];
	s13 =	sadd.s32 $0x80, s13  }
.LBB2_23:
0x1c2: {  	v16 =	vld [tilespmem:s13+$0x10]  }
0x1c3: {  	v4 =	vmax.f32 v4, v7;
	s11 =	sadd.s32 $0x2, s11;
	v17 =	vld [tilespmem:s13+$0x20]  }
0x1c4: {  	v4 =	vmax.f32 v4, v11;
	p0 =	slt.s32 s11, s10;
	v18 =	vld [tilespmem:s13+$0x30]  }
.Ltmp25:
0x1c5: {  	v19 =	vmax.f32 v13, v6;
	v9 =	vmax.f32 v14, v9;
	v7 =	vld [tilespmem:s13+$0xFFFFFFD0];
	v12 =	vmax.f32 v15, v12;
	(pc) =	sbr.rel @p0 .LBB2_23-.Ltmp25, $4  }
0x1c6: {  	v13 =	vmax.f32 v19, v5;
	v14 =	vmax.f32 v9, v8;
	v6 =	vld [tilespmem:s13+$0xFFFFFFE0];
	v15 =	vmax.f32 v12, v10  }
0x1c7: {  	v9 =	vld [tilespmem:s13+$0xFFFFFFF0];
	v11 =	vmov v16  }
0x1c8: {  	v12 =	vld [tilespmem:s13+$0x0];
	v5 =	vmov v17  }
0x1c9: {  	v10 =	vld [tilespmem:s13+$0x40];
	s13 =	sadd.s32 $0x80, s13;
	v8 =	vmov v18  }
.LBB2_24:
.Ltmp26:
0x1ca: {  	_ = 	snop;
	(pc) =	sbr.rel .LBB2_20-.Ltmp26, $4  }
0x1cb: {  	v4 =	vmax.f32 v4, v7  }
0x1cc: {  	v4 =	vmax.f32 v4, v11  }
0x1cd: {  	v6 =	vmax.f32 v13, v6;
	v7 =	vmax.f32 v14, v9;
	v9 =	vmax.f32 v15, v12  }
0x1ce: {  	v6 =	vmax.f32 v6, v5;
	v5 =	vmax.f32 v7, v8;
	v8 =	vmax.f32 v9, v10  }
.LBB2_19:
0x1cf: {  	v6 =	vmov v4;
	v5 =	vmov v4;
	v8 =	vmov v4  }
.LBB2_20:
0x1d0: {  	p0 =	sge.s32 s10, s0  }
.Ltmp27:
0x1d1: {  	_ = 	snop;
	(pc) =	sbr.rel @p0 .LBB2_21-.Ltmp27, $1  }
0x1d2: {  	_ =	sdelay $0x3  }
0x1d3: {  	s5 =	sadd.s32 s24, s0  }
0x1d4: {  	s1 =	ssub.s32 s1, s2;
	s31 =	ssub.s32 s5, s29  }
0x1d5: {  	s2 =	ssub.s32 s31, s1  }
0x1d6: {  	s2 =	sshll.u32 s2, $0x8  }
0x1d7: {  	s2 =	sshra.s32 s2, $0x2  }
0x1d8: {  	s2 =	sadd.s32 $0x1060, s2  }
.LBB2_26:
0x1d9: {  	v7 =	vld [tilespmem:s2+$0xFFFFFFE0]  }
0x1da: {  	v9 =	vld [tilespmem:s2+$0xFFFFFFF0]  }
0x1db: {  	v10 =	vld [tilespmem:s2+$0x0]  }
0x1dc: {  	v11 =	vld [tilespmem:s2+$0x10];
	p0 =	seq.s32 s1, $0x1  }
.Ltmp28:
0x1dd: {  	_ = 	snop;
	(pc) =	sbr.rel @!p0 .LBB2_26-.Ltmp28, $3  }
0x1de: {  	_ =	sdelay $0x1  }
0x1df: {  	v4 =	vmax.f32 v4, v7  }
0x1e0: {  	s2 =	sadd.s32 $0x40, s2;
	s1 =	sadd.s32 $0xFFFFFFFF, s1;
	v6 =	vmax.f32 v6, v9;
	v5 =	vmax.f32 v5, v10;
	v8 =	vmax.f32 v8, v11  }
.Ltmp29:
0x1e1: {  	(pc) =	sbr.rel .LBB2_38-.Ltmp29, $2  }
0x1e2: {  	_ =	sdelay $0x2  }
0x1e3: {  	v7 =	vmov v4;
	v4 =	vmov v8  }
.LBB2_42:
.Ltmp30:
0x1e4: {  	(pc) =	sbr.rel .LBB2_38-.Ltmp30, $3  }
0x1e5: {  	_ =	sdelay $0x1  }
0x1e6: {  	v7 =	vpsel p0, v4, v4  }
0x1e7: {  	v6 =	vpsel p0, v4, v4;
	v5 =	vpsel p0, v4, v4;
	s29 =	smov.u32 @p0 s29;
	s24 =	smov.u32 @p0 s24;
	v4 =	vpsel p0, v4, v4  }
.LBB2_5:
0x1e8: {  	p3 =	por $0x0, $0x0  }
.Ltmp31:
0x1e9: {  	s0 =	simm.s32 @!p3 $0x0;
	(pc) =	sbr.rel .LBB2_16-.Ltmp31, $4  }
0x1ea: {  	s0 =	simm.s32 @p3 $0x1;
	p3 =	por $0x0, $0x0  }
0x1eb: {  	[smem:$0x7FB] =	sst s0;
	s0 =	simm.s32 @!p3 $0x0  }
0x1ec: {  	s0 =	simm.s32 @p3 $0x1  }
0x1ed: {  	p5 =	por p0, p0;
	[smem:$0x7FC] =	sst s0;
	s0 =	smov.u32 s10  }
.LBB2_7:
0x1ee: {  	p3 =	por $0x0, $0x0  }
.Ltmp32:
0x1ef: {  	s5 =	simm.s32 @!p3 $0x0;
	(pc) =	sbr.rel .LBB2_16-.Ltmp32, $4  }
0x1f0: {  	s5 =	simm.s32 @p3 $0x1;
	p3 =	por $0x0, $0x0  }
0x1f1: {  	[smem:$0x7FB] =	sst s5;
	s5 =	simm.s32 @!p3 $0x0  }
0x1f2: {  	s11 =	smov.u32 s0;
	s5 =	simm.s32 @p3 $0x1  }
0x1f3: {  	p5 =	por p0, p0;
	s0 =	smov.u32 s10;
	[smem:$0x7FC] =	sst s5  }
.LBB2_9:
0x1f4: {  	p3 =	por $0x0, $0x0  }
.Ltmp33:
0x1f5: {  	s5 =	simm.s32 @!p3 $0x0;
	(pc) =	sbr.rel .LBB2_16-.Ltmp33, $4  }
0x1f6: {  	s5 =	simm.s32 @p3 $0x1;
	p3 =	por $0x0, $0x0  }
0x1f7: {  	[smem:$0x7FB] =	sst s5;
	s5 =	simm.s32 @!p3 $0x0  }
0x1f8: {  	s5 =	simm.s32 @p3 $0x1  }
0x1f9: {  	p5 =	por p0, p0;
	[smem:$0x7FC] =	sst s5  }
.LBB2_11:
.Ltmp34:
0x1fa: {  	(pc) =	sbr.rel .LBB2_16-.Ltmp34, $4  }
0x1fb: {  	p3 =	por $0x0, $0x0  }
0x1fc: {  	s5 =	simm.s32 @!p3 $0x0  }
0x1fd: {  	s5 =	simm.s32 @p3 $0x1  }
0x1fe: {  	s11 =	smov.u32 s16;
	p5 =	por p0, p0;
	[smem:$0x7FB] =	sst s5  }
.LBB2_13:
.Ltmp35:
0x1ff: {  	(pc) =	sbr.rel .LBB2_16-.Ltmp35, $2  }
0x200: {  	_ =	sdelay $0x2  }
0x201: {  	p5 =	por p0, p0  }
.LBB2_41:
0x202: {  	_ =	sfence.sel $0x180000  }
0x203: {  	[bflag:$0x0] =	sbarrier.arrive $0xFFFF  }
0x204: {  	_ =	strace $0x90000047  }
0x205: {  	s0 =	stileid.u32;
	[bflag:$0x2] =	sbarrier.arrive $0xFFFF  }
0x206: {  	p0 =	sne.s32 s0, $0x0;
	s0 =	rddreg [dreg:$0x2]  }
0x207: {  	s0 =	sadd.s32 @!p0 $0x100000, s0  }
0x208: {  	[sflag:s0] =	ssyncadd.tile.s32 @!p0 $0x1;
	_ =	shalt  }
.Lfunc_end2:
_tile_overlayer_lowered:
.L_overlay_start_2:
0x209: {  	(tag) =	ssettag $0x2  }
0x20a: {  	s0 =	rddreg [dreg:$0x0];
	s2 =	stileid.u32  }
0x20b: {  	s1 =	rddreg [dreg:$0x1];
	p0 =	sne.s32 s2, $0x0  }
0x20c: {  	s3 =	rddreg [dreg:$0x2];
	[bflag:$0x3] =	sbarrier.arrive $0xFFFF;
	s2 =	simm.s32 @!p0 $0x1C03  }
0x20d: {  	[timem:s3], [sflag:s2] =	dma.local @!p0 [hbm:s0], s1  }
0x20e: {  	s0 =	simm.s32 @!p0 $0x3  }
0x20f: {  	_ =	swait.ge @!p0 [sflag:s0], s1  }
0x210: {  	s1 =	ssub.s32 @!p0 $0x0, s1;
	[sflag:s0] =	ssyncset.done @!p0 $0x0  }
0x211: {  	[sflag:s0] =	ssyncadd.s32 @!p0 s1  }
0x212: {  	[bflag:$0x3] =	sbarrier.arrive $0xFFFF  }
0x213: {  	_ =	shalt  }

</sc_bundles>
